<compile_context>
chip_gen: v7x
topology: tpu7x:2x2x1
jax: 0.10.2.dev20260603
libtpu: 0.0.44.dev20260713+nightly
codegen_flags: <defaults>
</compile_context>

<pallas_src>
import functools

import jax
import jax.numpy as jnp
from jax import lax
from jax.experimental import pallas as pl
from jax.experimental.pallas import tpu as pltpu
from jax.experimental.pallas import tpu_sc as plsc

NUM_ISLANDS = 4
GPI = 4096
NUM_SELECTED = 1024
TOURN = 8
DIM = 256
MUT = 0.1
TEMP = 1.5
NUM_GENES = NUM_ISLANDS * GPI
NUM_CHILDREN = GPI - NUM_SELECTED

_RCHUNK = 256
_CBLOCK = 256


def _rank_body(f_ref, sel_ref, fit_ref, rank_ref):
    f = f_ref[0]
    col = lax.broadcasted_iota(jnp.int32, (1, GPI), 1)
    colf = col.astype(jnp.float32)
    for c in range(GPI // _RCHUNK):
        sl = pl.ds(c * _RCHUNK, _RCHUNK)
        fi = f[0, c * _RCHUNK:(c + 1) * _RCHUNK].reshape(_RCHUNK, 1)
        ii = col[0, c * _RCHUNK:(c + 1) * _RCHUNK].reshape(_RCHUNK, 1)
        gt = (f > fi).astype(jnp.int32)
        eq = ((f == fi) & (col < ii)).astype(jnp.int32)
        r = jnp.sum(gt + eq, axis=1)
        rank_ref[:, sl] = r.reshape(1, _RCHUNK)
    ranks = rank_ref[...]
    for c in range(NUM_SELECTED // _RCHUNK):
        sl = pl.ds(c * _RCHUNK, _RCHUNK)
        rr = (lax.broadcasted_iota(jnp.int32, (_RCHUNK, 1), 0)
              + c * _RCHUNK)
        m = ranks == rr
        sel = jnp.sum(jnp.where(m, colf, 0.0), axis=1)
        fit = jnp.sum(jnp.where(m, f, 0.0), axis=1)
        sel_ref[0, :, sl] = sel.astype(jnp.int32).reshape(1, _RCHUNK)
        fit_ref[0, :, sl] = fit.reshape(1, _RCHUNK)


def _rank_call(f3):
    sel, fit = pl.pallas_call(
        _rank_body,
        grid=(NUM_ISLANDS,),
        in_specs=[pl.BlockSpec((1, 1, GPI), lambda i: (i, 0, 0))],
        out_specs=[
            pl.BlockSpec((1, 1, NUM_SELECTED), lambda i: (i, 0, 0)),
            pl.BlockSpec((1, 1, NUM_SELECTED), lambda i: (i, 0, 0)),
        ],
        out_shape=[
            jax.ShapeDtypeStruct((NUM_ISLANDS, 1, NUM_SELECTED), jnp.int32),
            jax.ShapeDtypeStruct((NUM_ISLANDS, 1, NUM_SELECTED), jnp.float32),
        ],
        scratch_shapes=[pltpu.VMEM((1, GPI), jnp.int32)],
    )(f3)
    return sel, fit


def _sc_gather(genes, gids):
    nrows = NUM_ISLANDS * NUM_SELECTED
    nw = 32
    bpw = nrows // nw
    mesh = plsc.VectorSubcoreMesh(core_axis_name="c", subcore_axis_name="s")

    @functools.partial(
        pl.kernel,
        mesh=mesh,
        out_type=jax.ShapeDtypeStruct((nrows, DIM), jnp.float32),
        scratch_types=[
            pltpu.VMEM((bpw,), jnp.int32),
            pltpu.VMEM((bpw, DIM), jnp.float32),
            pltpu.SemaphoreType.DMA,
        ],
    )
    def k(table_hbm, idx_hbm, out_hbm, idx_v, rows_v, sem):
        wid = lax.axis_index("s") * 2 + lax.axis_index("c")
        base = wid * bpw
        pltpu.sync_copy(idx_hbm.at[pl.ds(base, bpw)], idx_v)
        pltpu.async_copy(table_hbm.at[idx_v], rows_v, sem).wait()
        pltpu.sync_copy(rows_v, out_hbm.at[pl.ds(base, bpw)])

    return k(genes, gids)


def _child_body(noise_ref, wn_ref, mut_ref, fit_ref, sel8_ref, out_ref):
    noise = noise_ref[...]
    f = fit_ref[0]
    col = lax.broadcasted_iota(jnp.int32, (_CBLOCK, NUM_SELECTED), 1)
    cur = noise
    fit_slots = []
    for _ in range(TOURN):
        m = jnp.min(cur, axis=1, keepdims=True)
        ismin = cur == m
        idx = jnp.min(jnp.where(ismin, col, NUM_SELECTED), axis=1,
                      keepdims=True)
        hit = col == idx
        fs = jnp.sum(jnp.where(hit, f, 0.0), axis=1, keepdims=True)
        fit_slots.append(fs)
        cur = jnp.where(hit, jnp.inf, cur)
    fs_all = jnp.concatenate(fit_slots, axis=1)
    slot = lax.broadcasted_iota(jnp.int32, (_CBLOCK, TOURN), 1)
    f1 = jnp.max(fs_all, axis=1, keepdims=True)
    p1 = jnp.min(jnp.where(fs_all == f1, slot, TOURN), axis=1, keepdims=True)
    rest = jnp.where(slot == p1, -jnp.inf, fs_all)
    f2 = jnp.max(rest, axis=1, keepdims=True)
    p2 = jnp.min(jnp.where(rest == f2, slot, TOURN), axis=1, keepdims=True)
    sel8 = sel8_ref[...]
    parent1 = jnp.zeros((_CBLOCK, DIM), jnp.float32)
    parent2 = jnp.zeros((_CBLOCK, DIM), jnp.float32)
    for s in range(TOURN):
        row = sel8[s].reshape(1, DIM)
        parent1 = jnp.where(p1 == s, row, parent1)
        parent2 = jnp.where(p2 == s, row, parent2)
    w = jax.nn.sigmoid(wn_ref[...] / TEMP)
    child = parent1 + w * (parent2 - parent1)
    child = child + mut_ref[...] * MUT
    nrm = jnp.maximum(
        jnp.sqrt(jnp.sum(child * child, axis=1, keepdims=True)), 1e-12)
    out_ref[...] = child / nrm


def _child_call(noise, wn, mut_child, fit3, selected):
    nblk = NUM_ISLANDS * NUM_CHILDREN // _CBLOCK
    per_island = NUM_CHILDREN // _CBLOCK
    return pl.pallas_call(
        _child_body,
        grid=(nblk,),
        in_specs=[
            pl.BlockSpec((_CBLOCK, NUM_SELECTED), lambda b: (b, 0)),
            pl.BlockSpec((_CBLOCK, DIM), lambda b: (b, 0)),
            pl.BlockSpec((_CBLOCK, DIM), lambda b: (b, 0)),
            pl.BlockSpec((1, 1, NUM_SELECTED),
                         lambda b: (b // per_island, 0, 0)),
            pl.BlockSpec((TOURN, DIM),
                         lambda b: ((b // per_island) * (NUM_SELECTED // TOURN),
                                    0)),
        ],
        out_specs=pl.BlockSpec((_CBLOCK, DIM), lambda b: (b, 0)),
        out_shape=jax.ShapeDtypeStruct(
            (NUM_ISLANDS * NUM_CHILDREN, DIM), jnp.float32),
    )(noise, wn, mut_child, fit3, selected)


def _mut_body(sel_ref, mut_ref, out_ref):
    x = sel_ref[...] + mut_ref[...] * MUT
    nrm = jnp.maximum(
        jnp.sqrt(jnp.sum(x * x, axis=1, keepdims=True)), 1e-12)
    out_ref[...] = x / nrm


def _mut_call(selected, mut_sel):
    nrows = NUM_ISLANDS * NUM_SELECTED
    return pl.pallas_call(
        _mut_body,
        grid=(NUM_ISLANDS,),
        in_specs=[
            pl.BlockSpec((NUM_SELECTED, DIM), lambda i: (i, 0)),
            pl.BlockSpec((NUM_SELECTED, DIM), lambda i: (i, 0)),
        ],
        out_specs=pl.BlockSpec((NUM_SELECTED, DIM), lambda i: (i, 0)),
        out_shape=jax.ShapeDtypeStruct((nrows, DIM), jnp.float32),
    )(selected, mut_sel)


def kernel(fitnesses, genes):
    key = jax.random.key(42)
    kk1, kk2, kk3 = jax.random.split(key, 3)
    noise = jax.random.normal(
        kk1, (NUM_ISLANDS, NUM_CHILDREN, NUM_SELECTED), dtype=jnp.float32
    ).reshape(NUM_ISLANDS * NUM_CHILDREN, NUM_SELECTED)
    wn = jax.random.normal(
        kk2, (NUM_ISLANDS, NUM_CHILDREN, DIM), dtype=jnp.float32
    ).reshape(NUM_ISLANDS * NUM_CHILDREN, DIM)
    mn = jax.random.normal(
        kk3, (NUM_ISLANDS, GPI - 1, DIM), dtype=jnp.float32)
    mut_child = mn[:, NUM_SELECTED - 1:, :].reshape(
        NUM_ISLANDS * NUM_CHILDREN, DIM)
    mut_sel = jnp.concatenate(
        [jnp.zeros((NUM_ISLANDS, 1, DIM), jnp.float32),
         mn[:, :NUM_SELECTED - 1, :]], axis=1
    ).reshape(NUM_ISLANDS * NUM_SELECTED, DIM)

    f3 = fitnesses.reshape(NUM_ISLANDS, 1, GPI)

    sel3, fit3 = _rank_call(f3)
    sel_ids = sel3.reshape(NUM_ISLANDS, NUM_SELECTED)

    gids = (sel_ids
            + (jnp.arange(NUM_ISLANDS, dtype=jnp.int32) * GPI)[:, None]
            ).reshape(NUM_ISLANDS * NUM_SELECTED)
    selected = _sc_gather(genes, gids)

    children = _child_call(noise, wn, mut_child, fit3, selected)

    sel_out = _mut_call(selected, mut_sel)

    new_genes = jnp.concatenate(
        [sel_out.reshape(NUM_ISLANDS, NUM_SELECTED, DIM),
         children.reshape(NUM_ISLANDS, NUM_CHILDREN, DIM)], axis=1
    ).reshape(NUM_GENES, DIM)
    return sel_ids, new_genes

# --- scband reference (transcript-rebuilt; emitter-appended) ---
"""Pipeline reference for scband-latent-gene-pool-7241314861526 (READ-ONLY COPY).

The authoritative reference and input builder live on the scoring server;
editing this copy changes nothing except your own understanding.
"""

import jax, jax.numpy as jnp
import numpy as np

NUM_ISLANDS = 4
GPI = 4096  # num_genes_per_island
NUM_SELECTED = 1024
TOURN = 8
DIM = 256
MUT = 0.1
TEMP = 1.5
NUM_GENES = NUM_ISLANDS * GPI
NUM_CHILDREN = GPI - NUM_SELECTED


def l2norm(t):
    n = jnp.maximum(jnp.linalg.norm(t, axis=-1, keepdims=True), 1e-12)
    return t / n


def setup_inputs(seed: int = 0) -> dict:
    key = jax.random.key(seed)
    k1, k2 = jax.random.split(key)
    fitnesses = jax.random.normal(k1, (NUM_GENES,), dtype=jnp.float32)
    genes = l2norm(jax.random.normal(k2, (NUM_GENES, DIM), dtype=jnp.float32))
    return {"fitnesses": fitnesses, "genes": genes}


def _evolve(fitnesses, genes, key):
    f = fitnesses.reshape(NUM_ISLANDS, GPI)
    g = genes.reshape(NUM_ISLANDS, GPI, DIM)
    # sort fitness descending per island
    order = jnp.argsort(-f, axis=-1)
    sorted_fitness = jnp.take_along_axis(f, order, axis=-1)
    sorted_gene_ids = order
    selected_gene_ids = sorted_gene_ids[:, :NUM_SELECTED]
    idx = jnp.broadcast_to(selected_gene_ids[:, :, None], (NUM_ISLANDS, NUM_SELECTED, DIM))
    selected_genes = jnp.take_along_axis(g, idx, axis=1)
    kk1, kk2, kk3 = jax.random.split(key, 3)
    # tournament selection: random permutations via argsort of gaussian noise
    noise = jax.random.normal(kk1, (NUM_ISLANDS, NUM_CHILDREN, NUM_SELECTED), dtype=jnp.float32)
    batch_randperm = jnp.argsort(noise, axis=-1)
    tourn_ids = batch_randperm[..., :TOURN]
    sf = jnp.broadcast_to(sorted_fitness[:, :, None], (NUM_ISLANDS, GPI, TOURN))
    tourn_fitness = jnp.take_along_axis(sf, tourn_ids, axis=1)  # (i, nc, t)
    parent_ids = jax.lax.top_k(tourn_fitness, 2)[1]  # (i, nc, 2) -- positions within tournament, as in torch code
    parent_ids = parent_ids.reshape(NUM_ISLANDS, NUM_CHILDREN * 2)
    pidx = jnp.broadcast_to(parent_ids[:, :, None], (NUM_ISLANDS, NUM_CHILDREN * 2, DIM))
    parents = jnp.take_along_axis(selected_genes, pidx, axis=1)
    parents = parents.reshape(NUM_ISLANDS, NUM_CHILDREN, 2, DIM)
    parent1 = parents[:, :, 0]
    parent2 = parents[:, :, 1]
    w = jax.nn.sigmoid(jax.random.normal(kk2, parent1.shape, dtype=jnp.float32) / TEMP)
    children = parent1 + w * (parent2 - parent1)  # lerp
    # migration branch inactive: (step + 1) == 1 not divisible by migrate_genes_every=10
    new_genes = jnp.concatenate([selected_genes, children], axis=1)
    # mutation, preserving elite (index 0 per island)
    elites = new_genes[:, :1]
    rest = new_genes[:, 1:]
    rest = rest + jax.random.normal(kk3, rest.shape, dtype=jnp.float32) * MUT
    new_genes = jnp.concatenate([elites, rest], axis=1)
    new_genes = l2norm(new_genes.reshape(NUM_GENES, DIM))
    return selected_gene_ids, new_genes


def reference(fitnesses, genes):
    key = jax.random.key(42)
    selected_gene_ids, new_genes = _evolve(fitnesses, genes, key)
    return selected_gene_ids, new_genes

if __name__ == "__main__":
    import jax
    _d = setup_inputs()
    print(jax.jit(kernel)(*tuple(_d.values())))

</pallas_src>

<mosaic_0001>
#map = affine_map<(d0, d1) -> (0, 0)>
#map1 = affine_map<(d0, d1) -> (0)>
module attributes {stable_mosaic.version = 14 : i64} {
  func.func @k(%arg0: i32, %arg1: i32, %arg2: memref<16384x256xf32, #tpu.memory_space<hbm>>, %arg3: memref<4096xi32, #tpu.memory_space<hbm>>, %arg4: memref<4096x256xf32, #tpu.memory_space<hbm>>, %arg5: memref<128xi32, #tpu.memory_space<vmem>>, %arg6: memref<128x256xf32, #tpu.memory_space<vmem>>, %arg7: memref<!tpu.dma_semaphore, #tpu.memory_space<semaphore_mem>>) attributes {dimension_semantics = [#tpu.dimension_semantics<core_parallel>, #tpu.dimension_semantics<subcore_parallel>], iteration_bounds = array<i64: 2, 16>, scalar_prefetch = 0 : i64, scratch_operands = 3 : i64, tpu.core_type = #tpu.core_type<sc_vector_subcore>, window_params = [{transform_indices = #map}, {transform_indices = #map1}, {transform_indices = #map}]} {
    %mul3A = arith.constant 2 : i32
    %mul3A_0 = arith.muli %arg1, %mul3A : i32
    %add3A = arith.addi %mul3A_0, %arg0 : i32
    %mul3A_1 = arith.constant 128 : i32
    %mul3A_2 = arith.muli %add3A, %mul3A_1 : i32
    "tpu.region"() ({
      %run_scoped3A = tpu.sem_alloc : memref<!tpu.dma_semaphore, #tpu.memory_space<semaphore_mem>>
      %dma_start3A_7 = tpu.memref_slice %arg3[%mul3A_2] : memref<4096xi32, #tpu.memory_space<hbm>> -> memref<128xi32, #tpu.memory_space<hbm>>
      %dma_start3A_8 = tpu.memref_slice %arg3[%mul3A_2] : memref<4096xi32, #tpu.memory_space<hbm>> -> memref<128xi32, #tpu.memory_space<hbm>>
      tpu.enqueue_dma source(%dma_start3A_8 : memref<128xi32, #tpu.memory_space<hbm>>) target(%arg5 : memref<128xi32, #tpu.memory_space<vmem>>) target_semaphore(%run_scoped3A : memref<!tpu.dma_semaphore, #tpu.memory_space<semaphore_mem>>)
      %dma_wait3A_9 = tpu.memref_slice %arg3[%mul3A_2] : memref<4096xi32, #tpu.memory_space<hbm>> -> memref<128xi32, #tpu.memory_space<hbm>>
      %dma_wait3A_10 = tpu.memref_slice %arg3[%mul3A_2] : memref<4096xi32, #tpu.memory_space<hbm>> -> memref<128xi32, #tpu.memory_space<hbm>>
      tpu.wait_dma2 semaphore(%run_scoped3A : memref<!tpu.dma_semaphore, #tpu.memory_space<semaphore_mem>>) src(%dma_wait3A_10 : memref<128xi32, #tpu.memory_space<hbm>>) dst(%arg5 : memref<128xi32, #tpu.memory_space<vmem>>)
      tpu.yield
    }) : () -> ()
    %dma_start3A = arith.constant 0 : i32
    %dma_start3A_3 = arith.constant 0 : i32
    %dma_start3A_4 = tpu.memref_slice %arg2[%dma_start3A, %dma_start3A_3] : memref<16384x256xf32, #tpu.memory_space<hbm>> -> memref<16384x256xf32, #tpu.memory_space<hbm>>
    tpu.enqueue_indirect_dma source(%dma_start3A_4 : memref<16384x256xf32, #tpu.memory_space<hbm>>) target(%arg6 : memref<128x256xf32, #tpu.memory_space<vmem>>) offsets(%arg5 : memref<128xi32, #tpu.memory_space<vmem>>) semaphore(%arg7 : memref<!tpu.dma_semaphore, #tpu.memory_space<semaphore_mem>>)
    %dma_wait3A = arith.constant 0 : i32
    %dma_wait3A_5 = arith.constant 0 : i32
    %dma_wait3A_6 = tpu.memref_slice %arg2[%dma_wait3A, %dma_wait3A_5] : memref<16384x256xf32, #tpu.memory_space<hbm>> -> memref<16384x256xf32, #tpu.memory_space<hbm>>
    tpu.wait_indirect_dma semaphore(%arg7 : memref<!tpu.dma_semaphore, #tpu.memory_space<semaphore_mem>>) src(%dma_wait3A_6 : memref<16384x256xf32, #tpu.memory_space<hbm>>) dst(%arg6 : memref<128x256xf32, #tpu.memory_space<vmem>>)
    "tpu.region"() ({
      %run_scoped3A = tpu.sem_alloc : memref<!tpu.dma_semaphore, #tpu.memory_space<semaphore_mem>>
      %dma_start3A_7 = arith.constant 0 : i32
      %dma_start3A_8 = tpu.memref_slice %arg4[%mul3A_2, %dma_start3A_7] : memref<4096x256xf32, #tpu.memory_space<hbm>> -> memref<128x256xf32, #tpu.memory_space<hbm>>
      %dma_start3A_9 = arith.constant 0 : i32
      %dma_start3A_10 = tpu.memref_slice %arg4[%mul3A_2, %dma_start3A_9] : memref<4096x256xf32, #tpu.memory_space<hbm>> -> memref<128x256xf32, #tpu.memory_space<hbm>>
      tpu.enqueue_dma source(%arg6 : memref<128x256xf32, #tpu.memory_space<vmem>>) target(%dma_start3A_10 : memref<128x256xf32, #tpu.memory_space<hbm>>) target_semaphore(%run_scoped3A : memref<!tpu.dma_semaphore, #tpu.memory_space<semaphore_mem>>)
      %dma_wait3A_11 = arith.constant 0 : i32
      %dma_wait3A_12 = tpu.memref_slice %arg4[%mul3A_2, %dma_wait3A_11] : memref<4096x256xf32, #tpu.memory_space<hbm>> -> memref<128x256xf32, #tpu.memory_space<hbm>>
      %dma_wait3A_13 = arith.constant 0 : i32
      %dma_wait3A_14 = tpu.memref_slice %arg4[%mul3A_2, %dma_wait3A_13] : memref<4096x256xf32, #tpu.memory_space<hbm>> -> memref<128x256xf32, #tpu.memory_space<hbm>>
      tpu.wait_dma2 semaphore(%run_scoped3A : memref<!tpu.dma_semaphore, #tpu.memory_space<semaphore_mem>>) src(%arg6 : memref<128x256xf32, #tpu.memory_space<vmem>>) dst(%dma_wait3A_14 : memref<128x256xf32, #tpu.memory_space<hbm>>)
      tpu.yield
    }) : () -> ()
    return
  }
}

module attributes {stable_mosaic.version = 14 : i64} {
  func.func @_rank_body(%arg0: i32, %arg1: memref<1x1x4096xf32, #tpu.memory_space<vmem>>, %arg2: memref<1x1x1024xi32, #tpu.memory_space<vmem>>, %arg3: memref<1x1x1024xf32, #tpu.memory_space<vmem>>, %arg4: memref<1x4096xi32, #tpu.memory_space<vmem>>) attributes {dimension_semantics = [#tpu.dimension_semantics<arbitrary>], iteration_bounds = array<i64: 4>, scalar_prefetch = 0 : i64, scratch_operands = 1 : i64, tpu.core_type = #tpu.core_type<tc>, window_params = [{transform_indices = @transform_0, window_bounds = array<i64: 1, 1, 4096>}, {transform_indices = @transform_1, window_bounds = array<i64: 1, 1, 1024>}, {transform_indices = @transform_2, window_bounds = array<i64: 1, 1, 1024>}]} {
    %get3A = arith.constant 0 : index
    %get3A_0 = arith.constant 0 : index
    %get3A_1 = arith.constant 0 : index
    %get3A_2 = vector.load %arg1[%get3A, %get3A_0, %get3A_1] : memref<1x1x4096xf32, #tpu.memory_space<vmem>>, vector<1x1x4096xf32>
    %get3A_3 = vector.shape_cast %get3A_2 : vector<1x1x4096xf32> to vector<1x4096xf32>
    %iota3A = tpu.iota {dimensions = array<i32: 1>} : vector<1x4096xi32>
    %convert_element_type3A = arith.sitofp %iota3A : vector<1x4096xi32> to vector<1x4096xf32>
    %slice3A = vector.extract_strided_slice %get3A_3 {offsets = [0, 0], sizes = [1, 256], strides = [1, 1]} : vector<1x4096xf32> to vector<1x256xf32>
    %squeeze3A = vector.shape_cast %slice3A : vector<1x256xf32> to vector<256xf32>
    %reshape3A = vector.shape_cast %squeeze3A : vector<256xf32> to vector<256x1xf32>
    %slice3A_4 = vector.extract_strided_slice %iota3A {offsets = [0, 0], sizes = [1, 256], strides = [1, 1]} : vector<1x4096xi32> to vector<1x256xi32>
    %squeeze3A_5 = vector.shape_cast %slice3A_4 : vector<1x256xi32> to vector<256xi32>
    %reshape3A_6 = vector.shape_cast %squeeze3A_5 : vector<256xi32> to vector<256x1xi32>
    %gt3A = vector.broadcast %get3A_3 : vector<1x4096xf32> to vector<256x4096xf32>
    %gt3A_7 = vector.broadcast %reshape3A : vector<256x1xf32> to vector<256x4096xf32>
    %gt3A_8 = arith.cmpf ogt, %gt3A, %gt3A_7 : vector<256x4096xf32>
    %convert_element_type3A_9 = arith.extui %gt3A_8 : vector<256x4096xi1> to vector<256x4096xi32>
    %eq3A = vector.broadcast %get3A_3 : vector<1x4096xf32> to vector<256x4096xf32>
    %eq3A_10 = vector.broadcast %reshape3A : vector<256x1xf32> to vector<256x4096xf32>
    %eq3A_11 = arith.cmpf oeq, %eq3A, %eq3A_10 : vector<256x4096xf32>
    %lt3A = vector.broadcast %iota3A : vector<1x4096xi32> to vector<256x4096xi32>
    %lt3A_12 = vector.broadcast %reshape3A_6 : vector<256x1xi32> to vector<256x4096xi32>
    %lt3A_13 = arith.cmpi slt, %lt3A, %lt3A_12 : vector<256x4096xi32>
    %and3A = arith.andi %eq3A_11, %lt3A_13 : vector<256x4096xi1>
    %convert_element_type3A_14 = arith.extui %and3A : vector<256x4096xi1> to vector<256x4096xi32>
    %add3A = arith.addi %convert_element_type3A_9, %convert_element_type3A_14 : vector<256x4096xi32>
    %reduce_sum3A = arith.constant dense<0> : vector<256xi32>
    %reduce_sum3A_15 = vector.multi_reduction <add>, %add3A, %reduce_sum3A [1] : vector<256x4096xi32> to vector<256xi32>
    %reshape3A_16 = vector.shape_cast %reduce_sum3A_15 : vector<256xi32> to vector<1x256xi32>
    %swap3A = arith.constant 0 : index
    %swap3A_17 = arith.constant 0 : index
    %swap3A_18 = vector.load %arg4[%swap3A, %swap3A_17] : memref<1x4096xi32, #tpu.memory_space<vmem>>, vector<1x256xi32>
    tpu.vector_store %arg4[%swap3A, %swap3A_17], %reshape3A_16 {strides = array<i32>} : memref<1x4096xi32, #tpu.memory_space<vmem>>, vector<1x256xi32>,
    %slice3A_19 = vector.extract_strided_slice %get3A_3 {offsets = [0, 256], sizes = [1, 256], strides = [1, 1]} : vector<1x4096xf32> to vector<1x256xf32>
    %squeeze3A_20 = vector.shape_cast %slice3A_19 : vector<1x256xf32> to vector<256xf32>
    %reshape3A_21 = vector.shape_cast %squeeze3A_20 : vector<256xf32> to vector<256x1xf32>
    %slice3A_22 = vector.extract_strided_slice %iota3A {offsets = [0, 256], sizes = [1, 256], strides = [1, 1]} : vector<1x4096xi32> to vector<1x256xi32>
    %squeeze3A_23 = vector.shape_cast %slice3A_22 : vector<1x256xi32> to vector<256xi32>
    %reshape3A_24 = vector.shape_cast %squeeze3A_23 : vector<256xi32> to vector<256x1xi32>
    %gt3A_25 = vector.broadcast %get3A_3 : vector<1x4096xf32> to vector<256x4096xf32>
    %gt3A_26 = vector.broadcast %reshape3A_21 : vector<256x1xf32> to vector<256x4096xf32>
    %gt3A_27 = arith.cmpf ogt, %gt3A_25, %gt3A_26 : vector<256x4096xf32>
    %convert_element_type3A_28 = arith.extui %gt3A_27 : vector<256x4096xi1> to vector<256x4096xi32>
    %eq3A_29 = vector.broadcast %get3A_3 : vector<1x4096xf32> to vector<256x4096xf32>
    %eq3A_30 = vector.broadcast %reshape3A_21 : vector<256x1xf32> to vector<256x4096xf32>
    %eq3A_31 = arith.cmpf oeq, %eq3A_29, %eq3A_30 : vector<256x4096xf32>
    %lt3A_32 = vector.broadcast %iota3A : vector<1x4096xi32> to vector<256x4096xi32>
    %lt3A_33 = vector.broadcast %reshape3A_24 : vector<256x1xi32> to vector<256x4096xi32>
    %lt3A_34 = arith.cmpi slt, %lt3A_32, %lt3A_33 : vector<256x4096xi32>
    %and3A_35 = arith.andi %eq3A_31, %lt3A_34 : vector<256x4096xi1>
    %convert_element_type3A_36 = arith.extui %and3A_35 : vector<256x4096xi1> to vector<256x4096xi32>
    %add3A_37 = arith.addi %convert_element_type3A_28, %convert_element_type3A_36 : vector<256x4096xi32>
    %reduce_sum3A_38 = arith.constant dense<0> : vector<256xi32>
    %reduce_sum3A_39 = vector.multi_reduction <add>, %add3A_37, %reduce_sum3A_38 [1] : vector<256x4096xi32> to vector<256xi32>
    %reshape3A_40 = vector.shape_cast %reduce_sum3A_39 : vector<256xi32> to vector<1x256xi32>
    %swap3A_41 = arith.constant 0 : index
    %swap3A_42 = arith.constant 256 : index
    %swap3A_43 = vector.load %arg4[%swap3A_41, %swap3A_42] : memref<1x4096xi32, #tpu.memory_space<vmem>>, vector<1x256xi32>
    tpu.vector_store %arg4[%swap3A_41, %swap3A_42], %reshape3A_40 {strides = array<i32>} : memref<1x4096xi32, #tpu.memory_space<vmem>>, vector<1x256xi32>,
    %slice3A_44 = vector.extract_strided_slice %get3A_3 {offsets = [0, 512], sizes = [1, 256], strides = [1, 1]} : vector<1x4096xf32> to vector<1x256xf32>
    %squeeze3A_45 = vector.shape_cast %slice3A_44 : vector<1x256xf32> to vector<256xf32>
    %reshape3A_46 = vector.shape_cast %squeeze3A_45 : vector<256xf32> to vector<256x1xf32>
    %slice3A_47 = vector.extract_strided_slice %iota3A {offsets = [0, 512], sizes = [1, 256], strides = [1, 1]} : vector<1x4096xi32> to vector<1x256xi32>
    %squeeze3A_48 = vector.shape_cast %slice3A_47 : vector<1x256xi32> to vector<256xi32>
    %reshape3A_49 = vector.shape_cast %squeeze3A_48 : vector<256xi32> to vector<256x1xi32>
    %gt3A_50 = vector.broadcast %get3A_3 : vector<1x4096xf32> to vector<256x4096xf32>
    %gt3A_51 = vector.broadcast %reshape3A_46 : vector<256x1xf32> to vector<256x4096xf32>
    %gt3A_52 = arith.cmpf ogt, %gt3A_50, %gt3A_51 : vector<256x4096xf32>
    %convert_element_type3A_53 = arith.extui %gt3A_52 : vector<256x4096xi1> to vector<256x4096xi32>
    %eq3A_54 = vector.broadcast %get3A_3 : vector<1x4096xf32> to vector<256x4096xf32>
    %eq3A_55 = vector.broadcast %reshape3A_46 : vector<256x1xf32> to vector<256x4096xf32>
    %eq3A_56 = arith.cmpf oeq, %eq3A_54, %eq3A_55 : vector<256x4096xf32>
    %lt3A_57 = vector.broadcast %iota3A : vector<1x4096xi32> to vector<256x4096xi32>
    %lt3A_58 = vector.broadcast %reshape3A_49 : vector<256x1xi32> to vector<256x4096xi32>
    %lt3A_59 = arith.cmpi slt, %lt3A_57, %lt3A_58 : vector<256x4096xi32>
    %and3A_60 = arith.andi %eq3A_56, %lt3A_59 : vector<256x4096xi1>
    %convert_element_type3A_61 = arith.extui %and3A_60 : vector<256x4096xi1> to vector<256x4096xi32>
    %add3A_62 = arith.addi %convert_element_type3A_53, %convert_element_type3A_61 : vector<256x4096xi32>
    %reduce_sum3A_63 = arith.constant dense<0> : vector<256xi32>
    %reduce_sum3A_64 = vector.multi_reduction <add>, %add3A_62, %reduce_sum3A_63 [1] : vector<256x4096xi32> to vector<256xi32>
    %reshape3A_65 = vector.shape_cast %reduce_sum3A_64 : vector<256xi32> to vector<1x256xi32>
    %swap3A_66 = arith.constant 0 : index
    %swap3A_67 = arith.constant 512 : index
    %swap3A_68 = vector.load %arg4[%swap3A_66, %swap3A_67] : memref<1x4096xi32, #tpu.memory_space<vmem>>, vector<1x256xi32>
    tpu.vector_store %arg4[%swap3A_66, %swap3A_67], %reshape3A_65 {strides = array<i32>} : memref<1x4096xi32, #tpu.memory_space<vmem>>, vector<1x256xi32>,
    %slice3A_69 = vector.extract_strided_slice %get3A_3 {offsets = [0, 768], sizes = [1, 256], strides = [1, 1]} : vector<1x4096xf32> to vector<1x256xf32>
    %squeeze3A_70 = vector.shape_cast %slice3A_69 : vector<1x256xf32> to vector<256xf32>
    %reshape3A_71 = vector.shape_cast %squeeze3A_70 : vector<256xf32> to vector<256x1xf32>
    %slice3A_72 = vector.extract_strided_slice %iota3A {offsets = [0, 768], sizes = [1, 256], strides = [1, 1]} : vector<1x4096xi32> to vector<1x256xi32>
    %squeeze3A_73 = vector.shape_cast %slice3A_72 : vector<1x256xi32> to vector<256xi32>
    %reshape3A_74 = vector.shape_cast %squeeze3A_73 : vector<256xi32> to vector<256x1xi32>
    %gt3A_75 = vector.broadcast %get3A_3 : vector<1x4096xf32> to vector<256x4096xf32>
    %gt3A_76 = vector.broadcast %reshape3A_71 : vector<256x1xf32> to vector<256x4096xf32>
    %gt3A_77 = arith.cmpf ogt, %gt3A_75, %gt3A_76 : vector<256x4096xf32>
    %convert_element_type3A_78 = arith.extui %gt3A_77 : vector<256x4096xi1> to vector<256x4096xi32>
    %eq3A_79 = vector.broadcast %get3A_3 : vector<1x4096xf32> to vector<256x4096xf32>
    %eq3A_80 = vector.broadcast %reshape3A_71 : vector<256x1xf32> to vector<256x4096xf32>
    %eq3A_81 = arith.cmpf oeq, %eq3A_79, %eq3A_80 : vector<256x4096xf32>
    %lt3A_82 = vector.broadcast %iota3A : vector<1x4096xi32> to vector<256x4096xi32>
    %lt3A_83 = vector.broadcast %reshape3A_74 : vector<256x1xi32> to vector<256x4096xi32>
    %lt3A_84 = arith.cmpi slt, %lt3A_82, %lt3A_83 : vector<256x4096xi32>
    %and3A_85 = arith.andi %eq3A_81, %lt3A_84 : vector<256x4096xi1>
    %convert_element_type3A_86 = arith.extui %and3A_85 : vector<256x4096xi1> to vector<256x4096xi32>
    %add3A_87 = arith.addi %convert_element_type3A_78, %convert_element_type3A_86 : vector<256x4096xi32>
    %reduce_sum3A_88 = arith.constant dense<0> : vector<256xi32>
    %reduce_sum3A_89 = vector.multi_reduction <add>, %add3A_87, %reduce_sum3A_88 [1] : vector<256x4096xi32> to vector<256xi32>
    %reshape3A_90 = vector.shape_cast %reduce_sum3A_89 : vector<256xi32> to vector<1x256xi32>
    %swap3A_91 = arith.constant 0 : index
    %swap3A_92 = arith.constant 768 : index
    %swap3A_93 = vector.load %arg4[%swap3A_91, %swap3A_92] : memref<1x4096xi32, #tpu.memory_space<vmem>>, vector<1x256xi32>
    tpu.vector_store %arg4[%swap3A_91, %swap3A_92], %reshape3A_90 {strides = array<i32>} : memref<1x4096xi32, #tpu.memory_space<vmem>>, vector<1x256xi32>,
    %slice3A_94 = vector.extract_strided_slice %get3A_3 {offsets = [0, 1024], sizes = [1, 256], strides = [1, 1]} : vector<1x4096xf32> to vector<1x256xf32>
    %squeeze3A_95 = vector.shape_cast %slice3A_94 : vector<1x256xf32> to vector<256xf32>
    %reshape3A_96 = vector.shape_cast %squeeze3A_95 : vector<256xf32> to vector<256x1xf32>
    %slice3A_97 = vector.extract_strided_slice %iota3A {offsets = [0, 1024], sizes = [1, 256], strides = [1, 1]} : vector<1x4096xi32> to vector<1x256xi32>
    %squeeze3A_98 = vector.shape_cast %slice3A_97 : vector<1x256xi32> to vector<256xi32>
    %reshape3A_99 = vector.shape_cast %squeeze3A_98 : vector<256xi32> to vector<256x1xi32>
    %gt3A_100 = vector.broadcast %get3A_3 : vector<1x4096xf32> to vector<256x4096xf32>
    %gt3A_101 = vector.broadcast %reshape3A_96 : vector<256x1xf32> to vector<256x4096xf32>
    %gt3A_102 = arith.cmpf ogt, %gt3A_100, %gt3A_101 : vector<256x4096xf32>
    %convert_element_type3A_103 = arith.extui %gt3A_102 : vector<256x4096xi1> to vector<256x4096xi32>
    %eq3A_104 = vector.broadcast %get3A_3 : vector<1x4096xf32> to vector<256x4096xf32>
    %eq3A_105 = vector.broadcast %reshape3A_96 : vector<256x1xf32> to vector<256x4096xf32>
    %eq3A_106 = arith.cmpf oeq, %eq3A_104, %eq3A_105 : vector<256x4096xf32>
    %lt3A_107 = vector.broadcast %iota3A : vector<1x4096xi32> to vector<256x4096xi32>
    %lt3A_108 = vector.broadcast %reshape3A_99 : vector<256x1xi32> to vector<256x4096xi32>
    %lt3A_109 = arith.cmpi slt, %lt3A_107, %lt3A_108 : vector<256x4096xi32>
    %and3A_110 = arith.andi %eq3A_106, %lt3A_109 : vector<256x4096xi1>
    %convert_element_type3A_111 = arith.extui %and3A_110 : vector<256x4096xi1> to vector<256x4096xi32>
    %add3A_112 = arith.addi %convert_element_type3A_103, %convert_element_type3A_111 : vector<256x4096xi32>
    %reduce_sum3A_113 = arith.constant dense<0> : vector<256xi32>
    %reduce_sum3A_114 = vector.multi_reduction <add>, %add3A_112, %reduce_sum3A_113 [1] : vector<256x4096xi32> to vector<256xi32>
    %reshape3A_115 = vector.shape_cast %reduce_sum3A_114 : vector<256xi32> to vector<1x256xi32>
    %swap3A_116 = arith.constant 0 : index
    %swap3A_117 = arith.constant 1024 : index
    %swap3A_118 = vector.load %arg4[%swap3A_116, %swap3A_117] : memref<1x4096xi32, #tpu.memory_space<vmem>>, vector<1x256xi32>
    tpu.vector_store %arg4[%swap3A_116, %swap3A_117], %reshape3A_115 {strides = array<i32>} : memref<1x4096xi32, #tpu.memory_space<vmem>>, vector<1x256xi32>,
    %slice3A_119 = vector.extract_strided_slice %get3A_3 {offsets = [0, 1280], sizes = [1, 256], strides = [1, 1]} : vector<1x4096xf32> to vector<1x256xf32>
    %squeeze3A_120 = vector.shape_cast %slice3A_119 : vector<1x256xf32> to vector<256xf32>
    %reshape3A_121 = vector.shape_cast %squeeze3A_120 : vector<256xf32> to vector<256x1xf32>
    %slice3A_122 = vector.extract_strided_slice %iota3A {offsets = [0, 1280], sizes = [1, 256], strides = [1, 1]} : vector<1x4096xi32> to vector<1x256xi32>
    %squeeze3A_123 = vector.shape_cast %slice3A_122 : vector<1x256xi32> to vector<256xi32>
    %reshape3A_124 = vector.shape_cast %squeeze3A_123 : vector<256xi32> to vector<256x1xi32>
    %gt3A_125 = vector.broadcast %get3A_3 : vector<1x4096xf32> to vector<256x4096xf32>
    %gt3A_126 = vector.broadcast %reshape3A_121 : vector<256x1xf32> to vector<256x4096xf32>
    %gt3A_127 = arith.cmpf ogt, %gt3A_125, %gt3A_126 : vector<256x4096xf32>
    %convert_element_type3A_128 = arith.extui %gt3A_127 : vector<256x4096xi1> to vector<256x4096xi32>
    %eq3A_129 = vector.broadcast %get3A_3 : vector<1x4096xf32> to vector<256x4096xf32>
    %eq3A_130 = vector.broadcast %reshape3A_121 : vector<256x1xf32> to vector<256x4096xf32>
    %eq3A_131 = arith.cmpf oeq, %eq3A_129, %eq3A_130 : vector<256x4096xf32>
    %lt3A_132 = vector.broadcast %iota3A : vector<1x4096xi32> to vector<256x4096xi32>
    %lt3A_133 = vector.broadcast %reshape3A_124 : vector<256x1xi32> to vector<256x4096xi32>
    %lt3A_134 = arith.cmpi slt, %lt3A_132, %lt3A_133 : vector<256x4096xi32>
    %and3A_135 = arith.andi %eq3A_131, %lt3A_134 : vector<256x4096xi1>
    %convert_element_type3A_136 = arith.extui %and3A_135 : vector<256x4096xi1> to vector<256x4096xi32>
    %add3A_137 = arith.addi %convert_element_type3A_128, %convert_element_type3A_136 : vector<256x4096xi32>
    %reduce_sum3A_138 = arith.constant dense<0> : vector<256xi32>
    %reduce_sum3A_139 = vector.multi_reduction <add>, %add3A_137, %reduce_sum3A_138 [1] : vector<256x4096xi32> to vector<256xi32>
    %reshape3A_140 = vector.shape_cast %reduce_sum3A_139 : vector<256xi32> to vector<1x256xi32>
    %swap3A_141 = arith.constant 0 : index
    %swap3A_142 = arith.constant 1280 : index
    %swap3A_143 = vector.load %arg4[%swap3A_141, %swap3A_142] : memref<1x4096xi32, #tpu.memory_space<vmem>>, vector<1x256xi32>
    tpu.vector_store %arg4[%swap3A_141, %swap3A_142], %reshape3A_140 {strides = array<i32>} : memref<1x4096xi32, #tpu.memory_space<vmem>>, vector<1x256xi32>,
    %slice3A_144 = vector.extract_strided_slice %get3A_3 {offsets = [0, 1536], sizes = [1, 256], strides = [1, 1]} : vector<1x4096xf32> to vector<1x256xf32>
    %squeeze3A_145 = vector.shape_cast %slice3A_144 : vector<1x256xf32> to vector<256xf32>
    %reshape3A_146 = vector.shape_cast %squeeze3A_145 : vector<256xf32> to vector<256x1xf32>
    %slice3A_147 = vector.extract_strided_slice %iota3A {offsets = [0, 1536], sizes = [1, 256], strides = [1, 1]} : vector<1x4096xi32> to vector<1x256xi32>
    %squeeze3A_148 = vector.shape_cast %slice3A_147 : vector<1x256xi32> to vector<256xi32>
    %reshape3A_149 = vector.shape_cast %squeeze3A_148 : vector<256xi32> to vector<256x1xi32>
    %gt3A_150 = vector.broadcast %get3A_3 : vector<1x4096xf32> to vector<256x4096xf32>
    %gt3A_151 = vector.broadcast %reshape3A_146 : vector<256x1xf32> to vector<256x4096xf32>
    %gt3A_152 = arith.cmpf ogt, %gt3A_150, %gt3A_151 : vector<256x4096xf32>
    %convert_element_type3A_153 = arith.extui %gt3A_152 : vector<256x4096xi1> to vector<256x4096xi32>
    %eq3A_154 = vector.broadcast %get3A_3 : vector<1x4096xf32> to vector<256x4096xf32>
    %eq3A_155 = vector.broadcast %reshape3A_146 : vector<256x1xf32> to vector<256x4096xf32>
    %eq3A_156 = arith.cmpf oeq, %eq3A_154, %eq3A_155 : vector<256x4096xf32>
    %lt3A_157 = vector.broadcast %iota3A : vector<1x4096xi32> to vector<256x4096xi32>
    %lt3A_158 = vector.broadcast %reshape3A_149 : vector<256x1xi32> to vector<256x4096xi32>
    %lt3A_159 = arith.cmpi slt, %lt3A_157, %lt3A_158 : vector<256x4096xi32>
    %and3A_160 = arith.andi %eq3A_156, %lt3A_159 : vector<256x4096xi1>
    %convert_element_type3A_161 = arith.extui %and3A_160 : vector<256x4096xi1> to vector<256x4096xi32>
    %add3A_162 = arith.addi %convert_element_type3A_153, %convert_element_type3A_161 : vector<256x4096xi32>
    %reduce_sum3A_163 = arith.constant dense<0> : vector<256xi32>
    %reduce_sum3A_164 = vector.multi_reduction <add>, %add3A_162, %reduce_sum3A_163 [1] : vector<256x4096xi32> to vector<256xi32>
    %reshape3A_165 = vector.shape_cast %reduce_sum3A_164 : vector<256xi32> to vector<1x256xi32>
    %swap3A_166 = arith.constant 0 : index
    %swap3A_167 = arith.constant 1536 : index
    %swap3A_168 = vector.load %arg4[%swap3A_166, %swap3A_167] : memref<1x4096xi32, #tpu.memory_space<vmem>>, vector<1x256xi32>
    tpu.vector_store %arg4[%swap3A_166, %swap3A_167], %reshape3A_165 {strides = array<i32>} : memref<1x4096xi32, #tpu.memory_space<vmem>>, vector<1x256xi32>,
    %slice3A_169 = vector.extract_strided_slice %get3A_3 {offsets = [0, 1792], sizes = [1, 256], strides = [1, 1]} : vector<1x4096xf32> to vector<1x256xf32>
    %squeeze3A_170 = vector.shape_cast %slice3A_169 : vector<1x256xf32> to vector<256xf32>
    %reshape3A_171 = vector.shape_cast %squeeze3A_170 : vector<256xf32> to vector<256x1xf32>
    %slice3A_172 = vector.extract_strided_slice %iota3A {offsets = [0, 1792], sizes = [1, 256], strides = [1, 1]} : vector<1x4096xi32> to vector<1x256xi32>
    %squeeze3A_173 = vector.shape_cast %slice3A_172 : vector<1x256xi32> to vector<256xi32>
    %reshape3A_174 = vector.shape_cast %squeeze3A_173 : vector<256xi32> to vector<256x1xi32>
    %gt3A_175 = vector.broadcast %get3A_3 : vector<1x4096xf32> to vector<256x4096xf32>
    %gt3A_176 = vector.broadcast %reshape3A_171 : vector<256x1xf32> to vector<256x4096xf32>
    %gt3A_177 = arith.cmpf ogt, %gt3A_175, %gt3A_176 : vector<256x4096xf32>
    %convert_element_type3A_178 = arith.extui %gt3A_177 : vector<256x4096xi1> to vector<256x4096xi32>
    %eq3A_179 = vector.broadcast %get3A_3 : vector<1x4096xf32> to vector<256x4096xf32>
    %eq3A_180 = vector.broadcast %reshape3A_171 : vector<256x1xf32> to vector<256x4096xf32>
    %eq3A_181 = arith.cmpf oeq, %eq3A_179, %eq3A_180 : vector<256x4096xf32>
    %lt3A_182 = vector.broadcast %iota3A : vector<1x4096xi32> to vector<256x4096xi32>
    %lt3A_183 = vector.broadcast %reshape3A_174 : vector<256x1xi32> to vector<256x4096xi32>
    %lt3A_184 = arith.cmpi slt, %lt3A_182, %lt3A_183 : vector<256x4096xi32>
    %and3A_185 = arith.andi %eq3A_181, %lt3A_184 : vector<256x4096xi1>
    %convert_element_type3A_186 = arith.extui %and3A_185 : vector<256x4096xi1> to vector<256x4096xi32>
    %add3A_187 = arith.addi %convert_element_type3A_178, %convert_element_type3A_186 : vector<256x4096xi32>
    %reduce_sum3A_188 = arith.constant dense<0> : vector<256xi32>
    %reduce_sum3A_189 = vector.multi_reduction <add>, %add3A_187, %reduce_sum3A_188 [1] : vector<256x4096xi32> to vector<256xi32>
    %reshape3A_190 = vector.shape_cast %reduce_sum3A_189 : vector<256xi32> to vector<1x256xi32>
    %swap3A_191 = arith.constant 0 : index
    %swap3A_192 = arith.constant 1792 : index
    %swap3A_193 = vector.load %arg4[%swap3A_191, %swap3A_192] : memref<1x4096xi32, #tpu.memory_space<vmem>>, vector<1x256xi32>
    tpu.vector_store %arg4[%swap3A_191, %swap3A_192], %reshape3A_190 {strides = array<i32>} : memref<1x4096xi32, #tpu.memory_space<vmem>>, vector<1x256xi32>,
    %slice3A_194 = vector.extract_strided_slice %get3A_3 {offsets = [0, 2048], sizes = [1, 256], strides = [1, 1]} : vector<1x4096xf32> to vector<1x256xf32>
    %squeeze3A_195 = vector.shape_cast %slice3A_194 : vector<1x256xf32> to vector<256xf32>
    %reshape3A_196 = vector.shape_cast %squeeze3A_195 : vector<256xf32> to vector<256x1xf32>
    %slice3A_197 = vector.extract_strided_slice %iota3A {offsets = [0, 2048], sizes = [1, 256], strides = [1, 1]} : vector<1x4096xi32> to vector<1x256xi32>
    %squeeze3A_198 = vector.shape_cast %slice3A_197 : vector<1x256xi32> to vector<256xi32>
    %reshape3A_199 = vector.shape_cast %squeeze3A_198 : vector<256xi32> to vector<256x1xi32>
    %gt3A_200 = vector.broadcast %get3A_3 : vector<1x4096xf32> to vector<256x4096xf32>
    %gt3A_201 = vector.broadcast %reshape3A_196 : vector<256x1xf32> to vector<256x4096xf32>
    %gt3A_202 = arith.cmpf ogt, %gt3A_200, %gt3A_201 : vector<256x4096xf32>
    %convert_element_type3A_203 = arith.extui %gt3A_202 : vector<256x4096xi1> to vector<256x4096xi32>
    %eq3A_204 = vector.broadcast %get3A_3 : vector<1x4096xf32> to vector<256x4096xf32>
    %eq3A_205 = vector.broadcast %reshape3A_196 : vector<256x1xf32> to vector<256x4096xf32>
    %eq3A_206 = arith.cmpf oeq, %eq3A_204, %eq3A_205 : vector<256x4096xf32>
    %lt3A_207 = vector.broadcast %iota3A : vector<1x4096xi32> to vector<256x4096xi32>
    %lt3A_208 = vector.broadcast %reshape3A_199 : vector<256x1xi32> to vector<256x4096xi32>
    %lt3A_209 = arith.cmpi slt, %lt3A_207, %lt3A_208 : vector<256x4096xi32>
    %and3A_210 = arith.andi %eq3A_206, %lt3A_209 : vector<256x4096xi1>
    %convert_element_type3A_211 = arith.extui %and3A_210 : vector<256x4096xi1> to vector<256x4096xi32>
    %add3A_212 = arith.addi %convert_element_type3A_203, %convert_element_type3A_211 : vector<256x4096xi32>
    %reduce_sum3A_213 = arith.constant dense<0> : vector<256xi32>
    %reduce_sum3A_214 = vector.multi_reduction <add>, %add3A_212, %reduce_sum3A_213 [1] : vector<256x4096xi32> to vector<256xi32>
    %reshape3A_215 = vector.shape_cast %reduce_sum3A_214 : vector<256xi32> to vector<1x256xi32>
    %swap3A_216 = arith.constant 0 : index
    %swap3A_217 = arith.constant 2048 : index
    %swap3A_218 = vector.load %arg4[%swap3A_216, %swap3A_217] : memref<1x4096xi32, #tpu.memory_space<vmem>>, vector<1x256xi32>
    tpu.vector_store %arg4[%swap3A_216, %swap3A_217], %reshape3A_215 {strides = array<i32>} : memref<1x4096xi32, #tpu.memory_space<vmem>>, vector<1x256xi32>,
    %slice3A_219 = vector.extract_strided_slice %get3A_3 {offsets = [0, 2304], sizes = [1, 256], strides = [1, 1]} : vector<1x4096xf32> to vector<1x256xf32>
    %squeeze3A_220 = vector.shape_cast %slice3A_219 : vector<1x256xf32> to vector<256xf32>
    %reshape3A_221 = vector.shape_cast %squeeze3A_220 : vector<256xf32> to vector<256x1xf32>
    %slice3A_222 = vector.extract_strided_slice %iota3A {offsets = [0, 2304], sizes = [1, 256], strides = [1, 1]} : vector<1x4096xi32> to vector<1x256xi32>
    %squeeze3A_223 = vector.shape_cast %slice3A_222 : vector<1x256xi32> to vector<256xi32>
    %reshape3A_224 = vector.shape_cast %squeeze3A_223 : vector<256xi32> to vector<256x1xi32>
    %gt3A_225 = vector.broadcast %get3A_3 : vector<1x4096xf32> to vector<256x4096xf32>
    %gt3A_226 = vector.broadcast %reshape3A_221 : vector<256x1xf32> to vector<256x4096xf32>
    %gt3A_227 = arith.cmpf ogt, %gt3A_225, %gt3A_226 : vector<256x4096xf32>
    %convert_element_type3A_228 = arith.extui %gt3A_227 : vector<256x4096xi1> to vector<256x4096xi32>
    %eq3A_229 = vector.broadcast %get3A_3 : vector<1x4096xf32> to vector<256x4096xf32>
    %eq3A_230 = vector.broadcast %reshape3A_221 : vector<256x1xf32> to vector<256x4096xf32>
    %eq3A_231 = arith.cmpf oeq, %eq3A_229, %eq3A_230 : vector<256x4096xf32>
    %lt3A_232 = vector.broadcast %iota3A : vector<1x4096xi32> to vector<256x4096xi32>
    %lt3A_233 = vector.broadcast %reshape3A_224 : vector<256x1xi32> to vector<256x4096xi32>
    %lt3A_234 = arith.cmpi slt, %lt3A_232, %lt3A_233 : vector<256x4096xi32>
    %and3A_235 = arith.andi %eq3A_231, %lt3A_234 : vector<256x4096xi1>
    %convert_element_type3A_236 = arith.extui %and3A_235 : vector<256x4096xi1> to vector<256x4096xi32>
    %add3A_237 = arith.addi %convert_element_type3A_228, %convert_element_type3A_236 : vector<256x4096xi32>
    %reduce_sum3A_238 = arith.constant dense<0> : vector<256xi32>
    %reduce_sum3A_239 = vector.multi_reduction <add>, %add3A_237, %reduce_sum3A_238 [1] : vector<256x4096xi32> to vector<256xi32>
    %reshape3A_240 = vector.shape_cast %reduce_sum3A_239 : vector<256xi32> to vector<1x256xi32>
    %swap3A_241 = arith.constant 0 : index
    %swap3A_242 = arith.constant 2304 : index
    %swap3A_243 = vector.load %arg4[%swap3A_241, %swap3A_242] : memref<1x4096xi32, #tpu.memory_space<vmem>>, vector<1x256xi32>
    tpu.vector_store %arg4[%swap3A_241, %swap3A_242], %reshape3A_240 {strides = array<i32>} : memref<1x4096xi32, #tpu.memory_space<vmem>>, vector<1x256xi32>,
    %slice3A_244 = vector.extract_strided_slice %get3A_3 {offsets = [0, 2560], sizes = [1, 256], strides = [1, 1]} : vector<1x4096xf32> to vector<1x256xf32>
    %squeeze3A_245 = vector.shape_cast %slice3A_244 : vector<1x256xf32> to vector<256xf32>
    %reshape3A_246 = vector.shape_cast %squeeze3A_245 : vector<256xf32> to vector<256x1xf32>
    %slice3A_247 = vector.extract_strided_slice %iota3A {offsets = [0, 2560], sizes = [1, 256], strides = [1, 1]} : vector<1x4096xi32> to vector<1x256xi32>
    %squeeze3A_248 = vector.shape_cast %slice3A_247 : vector<1x256xi32> to vector<256xi32>
    %reshape3A_249 = vector.shape_cast %squeeze3A_248 : vector<256xi32> to vector<256x1xi32>
    %gt3A_250 = vector.broadcast %get3A_3 : vector<1x4096xf32> to vector<256x4096xf32>
    %gt3A_251 = vector.broadcast %reshape3A_246 : vector<256x1xf32> to vector<256x4096xf32>
    %gt3A_252 = arith.cmpf ogt, %gt3A_250, %gt3A_251 : vector<256x4096xf32>
    %convert_element_type3A_253 = arith.extui %gt3A_252 : vector<256x4096xi1> to vector<256x4096xi32>
    %eq3A_254 = vector.broadcast %get3A_3 : vector<1x4096xf32> to vector<256x4096xf32>
    %eq3A_255 = vector.broadcast %reshape3A_246 : vector<256x1xf32> to vector<256x4096xf32>
    %eq3A_256 = arith.cmpf oeq, %eq3A_254, %eq3A_255 : vector<256x4096xf32>
    %lt3A_257 = vector.broadcast %iota3A : vector<1x4096xi32> to vector<256x4096xi32>
    %lt3A_258 = vector.broadcast %reshape3A_249 : vector<256x1xi32> to vector<256x4096xi32>
    %lt3A_259 = arith.cmpi slt, %lt3A_257, %lt3A_258 : vector<256x4096xi32>
    %and3A_260 = arith.andi %eq3A_256, %lt3A_259 : vector<256x4096xi1>
    %convert_element_type3A_261 = arith.extui %and3A_260 : vector<256x4096xi1> to vector<256x4096xi32>
    %add3A_262 = arith.addi %convert_element_type3A_253, %convert_element_type3A_261 : vector<256x4096xi32>
    %reduce_sum3A_263 = arith.constant dense<0> : vector<256xi32>
    %reduce_sum3A_264 = vector.multi_reduction <add>, %add3A_262, %reduce_sum3A_263 [1] : vector<256x4096xi32> to vector<256xi32>
    %reshape3A_265 = vector.shape_cast %reduce_sum3A_264 : vector<256xi32> to vector<1x256xi32>
    %swap3A_266 = arith.constant 0 : index
    %swap3A_267 = arith.constant 2560 : index
    %swap3A_268 = vector.load %arg4[%swap3A_266, %swap3A_267] : memref<1x4096xi32, #tpu.memory_space<vmem>>, vector<1x256xi32>
    tpu.vector_store %arg4[%swap3A_266, %swap3A_267], %reshape3A_265 {strides = array<i32>} : memref<1x4096xi32, #tpu.memory_space<vmem>>, vector<1x256xi32>,
    %slice3A_269 = vector.extract_strided_slice %get3A_3 {offsets = [0, 2816], sizes = [1, 256], strides = [1, 1]} : vector<1x4096xf32> to vector<1x256xf32>
    %squeeze3A_270 = vector.shape_cast %slice3A_269 : vector<1x256xf32> to vector<256xf32>
    %reshape3A_271 = vector.shape_cast %squeeze3A_270 : vector<256xf32> to vector<256x1xf32>
    %slice3A_272 = vector.extract_strided_slice %iota3A {offsets = [0, 2816], sizes = [1, 256], strides = [1, 1]} : vector<1x4096xi32> to vector<1x256xi32>
    %squeeze3A_273 = vector.shape_cast %slice3A_272 : vector<1x256xi32> to vector<256xi32>
    %reshape3A_274 = vector.shape_cast %squeeze3A_273 : vector<256xi32> to vector<256x1xi32>
    %gt3A_275 = vector.broadcast %get3A_3 : vector<1x4096xf32> to vector<256x4096xf32>
    %gt3A_276 = vector.broadcast %reshape3A_271 : vector<256x1xf32> to vector<256x4096xf32>
    %gt3A_277 = arith.cmpf ogt, %gt3A_275, %gt3A_276 : vector<256x4096xf32>
    %convert_element_type3A_278 = arith.extui %gt3A_277 : vector<256x4096xi1> to vector<256x4096xi32>
    %eq3A_279 = vector.broadcast %get3A_3 : vector<1x4096xf32> to vector<256x4096xf32>
    %eq3A_280 = vector.broadcast %reshape3A_271 : vector<256x1xf32> to vector<256x4096xf32>
    %eq3A_281 = arith.cmpf oeq, %eq3A_279, %eq3A_280 : vector<256x4096xf32>
    %lt3A_282 = vector.broadcast %iota3A : vector<1x4096xi32> to vector<256x4096xi32>
    %lt3A_283 = vector.broadcast %reshape3A_274 : vector<256x1xi32> to vector<256x4096xi32>
    %lt3A_284 = arith.cmpi slt, %lt3A_282, %lt3A_283 : vector<256x4096xi32>
    %and3A_285 = arith.andi %eq3A_281, %lt3A_284 : vector<256x4096xi1>
    %convert_element_type3A_286 = arith.extui %and3A_285 : vector<256x4096xi1> to vector<256x4096xi32>
    %add3A_287 = arith.addi %convert_element_type3A_278, %convert_element_type3A_286 : vector<256x4096xi32>
    %reduce_sum3A_288 = arith.constant dense<0> : vector<256xi32>
    %reduce_sum3A_289 = vector.multi_reduction <add>, %add3A_287, %reduce_sum3A_288 [1] : vector<256x4096xi32> to vector<256xi32>
    %reshape3A_290 = vector.shape_cast %reduce_sum3A_289 : vector<256xi32> to vector<1x256xi32>
    %swap3A_291 = arith.constant 0 : index
    %swap3A_292 = arith.constant 2816 : index
    %swap3A_293 = vector.load %arg4[%swap3A_291, %swap3A_292] : memref<1x4096xi32, #tpu.memory_space<vmem>>, vector<1x256xi32>
    tpu.vector_store %arg4[%swap3A_291, %swap3A_292], %reshape3A_290 {strides = array<i32>} : memref<1x4096xi32, #tpu.memory_space<vmem>>, vector<1x256xi32>,
    %slice3A_294 = vector.extract_strided_slice %get3A_3 {offsets = [0, 3072], sizes = [1, 256], strides = [1, 1]} : vector<1x4096xf32> to vector<1x256xf32>
    %squeeze3A_295 = vector.shape_cast %slice3A_294 : vector<1x256xf32> to vector<256xf32>
    %reshape3A_296 = vector.shape_cast %squeeze3A_295 : vector<256xf32> to vector<256x1xf32>
    %slice3A_297 = vector.extract_strided_slice %iota3A {offsets = [0, 3072], sizes = [1, 256], strides = [1, 1]} : vector<1x4096xi32> to vector<1x256xi32>
    %squeeze3A_298 = vector.shape_cast %slice3A_297 : vector<1x256xi32> to vector<256xi32>
    %reshape3A_299 = vector.shape_cast %squeeze3A_298 : vector<256xi32> to vector<256x1xi32>
    %gt3A_300 = vector.broadcast %get3A_3 : vector<1x4096xf32> to vector<256x4096xf32>
    %gt3A_301 = vector.broadcast %reshape3A_296 : vector<256x1xf32> to vector<256x4096xf32>
    %gt3A_302 = arith.cmpf ogt, %gt3A_300, %gt3A_301 : vector<256x4096xf32>
    %convert_element_type3A_303 = arith.extui %gt3A_302 : vector<256x4096xi1> to vector<256x4096xi32>
    %eq3A_304 = vector.broadcast %get3A_3 : vector<1x4096xf32> to vector<256x4096xf32>
    %eq3A_305 = vector.broadcast %reshape3A_296 : vector<256x1xf32> to vector<256x4096xf32>
    %eq3A_306 = arith.cmpf oeq, %eq3A_304, %eq3A_305 : vector<256x4096xf32>
    %lt3A_307 = vector.broadcast %iota3A : vector<1x4096xi32> to vector<256x4096xi32>
    %lt3A_308 = vector.broadcast %reshape3A_299 : vector<256x1xi32> to vector<256x4096xi32>
    %lt3A_309 = arith.cmpi slt, %lt3A_307, %lt3A_308 : vector<256x4096xi32>
    %and3A_310 = arith.andi %eq3A_306, %lt3A_309 : vector<256x4096xi1>
    %convert_element_type3A_311 = arith.extui %and3A_310 : vector<256x4096xi1> to vector<256x4096xi32>
    %add3A_312 = arith.addi %convert_element_type3A_303, %convert_element_type3A_311 : vector<256x4096xi32>
    %reduce_sum3A_313 = arith.constant dense<0> : vector<256xi32>
    %reduce_sum3A_314 = vector.multi_reduction <add>, %add3A_312, %reduce_sum3A_313 [1] : vector<256x4096xi32> to vector<256xi32>
    %reshape3A_315 = vector.shape_cast %reduce_sum3A_314 : vector<256xi32> to vector<1x256xi32>
    %swap3A_316 = arith.constant 0 : index
    %swap3A_317 = arith.constant 3072 : index
    %swap3A_318 = vector.load %arg4[%swap3A_316, %swap3A_317] : memref<1x4096xi32, #tpu.memory_space<vmem>>, vector<1x256xi32>
    tpu.vector_store %arg4[%swap3A_316, %swap3A_317], %reshape3A_315 {strides = array<i32>} : memref<1x4096xi32, #tpu.memory_space<vmem>>, vector<1x256xi32>,
    %slice3A_319 = vector.extract_strided_slice %get3A_3 {offsets = [0, 3328], sizes = [1, 256], strides = [1, 1]} : vector<1x4096xf32> to vector<1x256xf32>
    %squeeze3A_320 = vector.shape_cast %slice3A_319 : vector<1x256xf32> to vector<256xf32>
    %reshape3A_321 = vector.shape_cast %squeeze3A_320 : vector<256xf32> to vector<256x1xf32>
    %slice3A_322 = vector.extract_strided_slice %iota3A {offsets = [0, 3328], sizes = [1, 256], strides = [1, 1]} : vector<1x4096xi32> to vector<1x256xi32>
    %squeeze3A_323 = vector.shape_cast %slice3A_322 : vector<1x256xi32> to vector<256xi32>
    %reshape3A_324 = vector.shape_cast %squeeze3A_323 : vector<256xi32> to vector<256x1xi32>
    %gt3A_325 = vector.broadcast %get3A_3 : vector<1x4096xf32> to vector<256x4096xf32>
    %gt3A_326 = vector.broadcast %reshape3A_321 : vector<256x1xf32> to vector<256x4096xf32>
    %gt3A_327 = arith.cmpf ogt, %gt3A_325, %gt3A_326 : vector<256x4096xf32>
    %convert_element_type3A_328 = arith.extui %gt3A_327 : vector<256x4096xi1> to vector<256x4096xi32>
    %eq3A_329 = vector.broadcast %get3A_3 : vector<1x4096xf32> to vector<256x4096xf32>
    %eq3A_330 = vector.broadcast %reshape3A_321 : vector<256x1xf32> to vector<256x4096xf32>
    %eq3A_331 = arith.cmpf oeq, %eq3A_329, %eq3A_330 : vector<256x4096xf32>
    %lt3A_332 = vector.broadcast %iota3A : vector<1x4096xi32> to vector<256x4096xi32>
    %lt3A_333 = vector.broadcast %reshape3A_324 : vector<256x1xi32> to vector<256x4096xi32>
    %lt3A_334 = arith.cmpi slt, %lt3A_332, %lt3A_333 : vector<256x4096xi32>
    %and3A_335 = arith.andi %eq3A_331, %lt3A_334 : vector<256x4096xi1>
    %convert_element_type3A_336 = arith.extui %and3A_335 : vector<256x4096xi1> to vector<256x4096xi32>
    %add3A_337 = arith.addi %convert_element_type3A_328, %convert_element_type3A_336 : vector<256x4096xi32>
    %reduce_sum3A_338 = arith.constant dense<0> : vector<256xi32>
    %reduce_sum3A_339 = vector.multi_reduction <add>, %add3A_337, %reduce_sum3A_338 [1] : vector<256x4096xi32> to vector<256xi32>
    %reshape3A_340 = vector.shape_cast %reduce_sum3A_339 : vector<256xi32> to vector<1x256xi32>
    %swap3A_341 = arith.constant 0 : index
    %swap3A_342 = arith.constant 3328 : index
    %swap3A_343 = vector.load %arg4[%swap3A_341, %swap3A_342] : memref<1x4096xi32, #tpu.memory_space<vmem>>, vector<1x256xi32>
    tpu.vector_store %arg4[%swap3A_341, %swap3A_342], %reshape3A_340 {strides = array<i32>} : memref<1x4096xi32, #tpu.memory_space<vmem>>, vector<1x256xi32>,
    %slice3A_344 = vector.extract_strided_slice %get3A_3 {offsets = [0, 3584], sizes = [1, 256], strides = [1, 1]} : vector<1x4096xf32> to vector<1x256xf32>
    %squeeze3A_345 = vector.shape_cast %slice3A_344 : vector<1x256xf32> to vector<256xf32>
    %reshape3A_346 = vector.shape_cast %squeeze3A_345 : vector<256xf32> to vector<256x1xf32>
    %slice3A_347 = vector.extract_strided_slice %iota3A {offsets = [0, 3584], sizes = [1, 256], strides = [1, 1]} : vector<1x4096xi32> to vector<1x256xi32>
    %squeeze3A_348 = vector.shape_cast %slice3A_347 : vector<1x256xi32> to vector<256xi32>
    %reshape3A_349 = vector.shape_cast %squeeze3A_348 : vector<256xi32> to vector<256x1xi32>
    %gt3A_350 = vector.broadcast %get3A_3 : vector<1x4096xf32> to vector<256x4096xf32>
    %gt3A_351 = vector.broadcast %reshape3A_346 : vector<256x1xf32> to vector<256x4096xf32>
    %gt3A_352 = arith.cmpf ogt, %gt3A_350, %gt3A_351 : vector<256x4096xf32>
    %convert_element_type3A_353 = arith.extui %gt3A_352 : vector<256x4096xi1> to vector<256x4096xi32>
    %eq3A_354 = vector.broadcast %get3A_3 : vector<1x4096xf32> to vector<256x4096xf32>
    %eq3A_355 = vector.broadcast %reshape3A_346 : vector<256x1xf32> to vector<256x4096xf32>
    %eq3A_356 = arith.cmpf oeq, %eq3A_354, %eq3A_355 : vector<256x4096xf32>
    %lt3A_357 = vector.broadcast %iota3A : vector<1x4096xi32> to vector<256x4096xi32>
    %lt3A_358 = vector.broadcast %reshape3A_349 : vector<256x1xi32> to vector<256x4096xi32>
    %lt3A_359 = arith.cmpi slt, %lt3A_357, %lt3A_358 : vector<256x4096xi32>
    %and3A_360 = arith.andi %eq3A_356, %lt3A_359 : vector<256x4096xi1>
    %convert_element_type3A_361 = arith.extui %and3A_360 : vector<256x4096xi1> to vector<256x4096xi32>
    %add3A_362 = arith.addi %convert_element_type3A_353, %convert_element_type3A_361 : vector<256x4096xi32>
    %reduce_sum3A_363 = arith.constant dense<0> : vector<256xi32>
    %reduce_sum3A_364 = vector.multi_reduction <add>, %add3A_362, %reduce_sum3A_363 [1] : vector<256x4096xi32> to vector<256xi32>
    %reshape3A_365 = vector.shape_cast %reduce_sum3A_364 : vector<256xi32> to vector<1x256xi32>
    %swap3A_366 = arith.constant 0 : index
    %swap3A_367 = arith.constant 3584 : index
    %swap3A_368 = vector.load %arg4[%swap3A_366, %swap3A_367] : memref<1x4096xi32, #tpu.memory_space<vmem>>, vector<1x256xi32>
    tpu.vector_store %arg4[%swap3A_366, %swap3A_367], %reshape3A_365 {strides = array<i32>} : memref<1x4096xi32, #tpu.memory_space<vmem>>, vector<1x256xi32>,
    %slice3A_369 = vector.extract_strided_slice %get3A_3 {offsets = [0, 3840], sizes = [1, 256], strides = [1, 1]} : vector<1x4096xf32> to vector<1x256xf32>
    %squeeze3A_370 = vector.shape_cast %slice3A_369 : vector<1x256xf32> to vector<256xf32>
    %reshape3A_371 = vector.shape_cast %squeeze3A_370 : vector<256xf32> to vector<256x1xf32>
    %slice3A_372 = vector.extract_strided_slice %iota3A {offsets = [0, 3840], sizes = [1, 256], strides = [1, 1]} : vector<1x4096xi32> to vector<1x256xi32>
    %squeeze3A_373 = vector.shape_cast %slice3A_372 : vector<1x256xi32> to vector<256xi32>
    %reshape3A_374 = vector.shape_cast %squeeze3A_373 : vector<256xi32> to vector<256x1xi32>
    %gt3A_375 = vector.broadcast %get3A_3 : vector<1x4096xf32> to vector<256x4096xf32>
    %gt3A_376 = vector.broadcast %reshape3A_371 : vector<256x1xf32> to vector<256x4096xf32>
    %gt3A_377 = arith.cmpf ogt, %gt3A_375, %gt3A_376 : vector<256x4096xf32>
    %convert_element_type3A_378 = arith.extui %gt3A_377 : vector<256x4096xi1> to vector<256x4096xi32>
    %eq3A_379 = vector.broadcast %get3A_3 : vector<1x4096xf32> to vector<256x4096xf32>
    %eq3A_380 = vector.broadcast %reshape3A_371 : vector<256x1xf32> to vector<256x4096xf32>
    %eq3A_381 = arith.cmpf oeq, %eq3A_379, %eq3A_380 : vector<256x4096xf32>
    %lt3A_382 = vector.broadcast %iota3A : vector<1x4096xi32> to vector<256x4096xi32>
    %lt3A_383 = vector.broadcast %reshape3A_374 : vector<256x1xi32> to vector<256x4096xi32>
    %lt3A_384 = arith.cmpi slt, %lt3A_382, %lt3A_383 : vector<256x4096xi32>
    %and3A_385 = arith.andi %eq3A_381, %lt3A_384 : vector<256x4096xi1>
    %convert_element_type3A_386 = arith.extui %and3A_385 : vector<256x4096xi1> to vector<256x4096xi32>
    %add3A_387 = arith.addi %convert_element_type3A_378, %convert_element_type3A_386 : vector<256x4096xi32>
    %reduce_sum3A_388 = arith.constant dense<0> : vector<256xi32>
    %reduce_sum3A_389 = vector.multi_reduction <add>, %add3A_387, %reduce_sum3A_388 [1] : vector<256x4096xi32> to vector<256xi32>
    %reshape3A_390 = vector.shape_cast %reduce_sum3A_389 : vector<256xi32> to vector<1x256xi32>
    %swap3A_391 = arith.constant 0 : index
    %swap3A_392 = arith.constant 3840 : index
    %swap3A_393 = vector.load %arg4[%swap3A_391, %swap3A_392] : memref<1x4096xi32, #tpu.memory_space<vmem>>, vector<1x256xi32>
    tpu.vector_store %arg4[%swap3A_391, %swap3A_392], %reshape3A_390 {strides = array<i32>} : memref<1x4096xi32, #tpu.memory_space<vmem>>, vector<1x256xi32>,
    %get3A_394 = arith.constant 0 : index
    %get3A_395 = arith.constant 0 : index
    %get3A_396 = vector.load %arg4[%get3A_394, %get3A_395] : memref<1x4096xi32, #tpu.memory_space<vmem>>, vector<1x4096xi32>
    %iota3A_397 = tpu.iota {dimensions = array<i32: 0>} : vector<256x1xi32>
    %add3A_398 = arith.constant 0 : i32
    %add3A_399 = vector.broadcast %add3A_398 : i32 to vector<256x1xi32>
    %add3A_400 = arith.addi %iota3A_397, %add3A_399 : vector<256x1xi32>
    %eq3A_401 = vector.broadcast %get3A_396 : vector<1x4096xi32> to vector<256x4096xi32>
    %eq3A_402 = vector.broadcast %add3A_400 : vector<256x1xi32> to vector<256x4096xi32>
    %eq3A_403 = arith.cmpi eq, %eq3A_401, %eq3A_402 : vector<256x4096xi32>
    %jit3A = arith.constant 0.000000e+00 : f32
    %broadcast_in_dim3A = vector.shape_cast %convert_element_type3A : vector<1x4096xf32> to vector<1x4096xf32>
    %broadcast_in_dim3A_404 = vector.broadcast %broadcast_in_dim3A : vector<1x4096xf32> to vector<256x4096xf32>
    %broadcast_in_dim3A_405 = vector.broadcast %jit3A : f32 to vector<256x4096xf32>
    %select_n3A = arith.select %eq3A_403, %broadcast_in_dim3A_404, %broadcast_in_dim3A_405 : vector<256x4096xi1>, vector<256x4096xf32>
    %reduce_sum3A_406 = arith.constant dense<0.000000e+00> : vector<256xf32>
    %reduce_sum3A_407 = vector.multi_reduction <add>, %select_n3A, %reduce_sum3A_406 [1] : vector<256x4096xf32> to vector<256xf32>
    %jit3A_408 = arith.constant 0.000000e+00 : f32
    %broadcast_in_dim3A_409 = vector.shape_cast %get3A_3 : vector<1x4096xf32> to vector<1x4096xf32>
    %broadcast_in_dim3A_410 = vector.broadcast %broadcast_in_dim3A_409 : vector<1x4096xf32> to vector<256x4096xf32>
    %broadcast_in_dim3A_411 = vector.broadcast %jit3A_408 : f32 to vector<256x4096xf32>
    %select_n3A_412 = arith.select %eq3A_403, %broadcast_in_dim3A_410, %broadcast_in_dim3A_411 : vector<256x4096xi1>, vector<256x4096xf32>
    %reduce_sum3A_413 = arith.constant dense<0.000000e+00> : vector<256xf32>
    %reduce_sum3A_414 = vector.multi_reduction <add>, %select_n3A_412, %reduce_sum3A_413 [1] : vector<256x4096xf32> to vector<256xf32>
    %convert_element_type3A_415 = arith.fptosi %reduce_sum3A_407 : vector<256xf32> to vector<256xi32>
    %reshape3A_416 = vector.shape_cast %convert_element_type3A_415 : vector<256xi32> to vector<1x256xi32>
    %swap3A_417 = arith.constant 0 : index
    %swap3A_418 = arith.constant 0 : index
    %swap3A_419 = arith.constant 0 : index
    %swap3A_420 = vector.load %arg2[%swap3A_417, %swap3A_418, %swap3A_419] : memref<1x1x1024xi32, #tpu.memory_space<vmem>>, vector<1x1x256xi32>
    %swap3A_421 = vector.shape_cast %swap3A_420 : vector<1x1x256xi32> to vector<1x256xi32>
    %swap3A_422 = vector.shape_cast %reshape3A_416 : vector<1x256xi32> to vector<1x1x256xi32>
    tpu.vector_store %arg2[%swap3A_417, %swap3A_418, %swap3A_419], %swap3A_422 {strides = array<i32>} : memref<1x1x1024xi32, #tpu.memory_space<vmem>>, vector<1x1x256xi32>,
    %reshape3A_423 = vector.shape_cast %reduce_sum3A_414 : vector<256xf32> to vector<1x256xf32>
    %swap3A_424 = arith.constant 0 : index
    %swap3A_425 = arith.constant 0 : index
    %swap3A_426 = arith.constant 0 : index
    %swap3A_427 = vector.load %arg3[%swap3A_424, %swap3A_425, %swap3A_426] : memref<1x1x1024xf32, #tpu.memory_space<vmem>>, vector<1x1x256xf32>
    %swap3A_428 = vector.shape_cast %swap3A_427 : vector<1x1x256xf32> to vector<1x256xf32>
    %swap3A_429 = vector.shape_cast %reshape3A_423 : vector<1x256xf32> to vector<1x1x256xf32>
    tpu.vector_store %arg3[%swap3A_424, %swap3A_425, %swap3A_426], %swap3A_429 {strides = array<i32>} : memref<1x1x1024xf32, #tpu.memory_space<vmem>>, vector<1x1x256xf32>,
    %iota3A_430 = tpu.iota {dimensions = array<i32: 0>} : vector<256x1xi32>
    %add3A_431 = arith.constant 256 : i32
    %add3A_432 = vector.broadcast %add3A_431 : i32 to vector<256x1xi32>
    %add3A_433 = arith.addi %iota3A_430, %add3A_432 : vector<256x1xi32>
    %eq3A_434 = vector.broadcast %get3A_396 : vector<1x4096xi32> to vector<256x4096xi32>
    %eq3A_435 = vector.broadcast %add3A_433 : vector<256x1xi32> to vector<256x4096xi32>
    %eq3A_436 = arith.cmpi eq, %eq3A_434, %eq3A_435 : vector<256x4096xi32>
    %jit3A_437 = arith.constant 0.000000e+00 : f32
    %broadcast_in_dim3A_438 = vector.shape_cast %convert_element_type3A : vector<1x4096xf32> to vector<1x4096xf32>
    %broadcast_in_dim3A_439 = vector.broadcast %broadcast_in_dim3A_438 : vector<1x4096xf32> to vector<256x4096xf32>
    %broadcast_in_dim3A_440 = vector.broadcast %jit3A_437 : f32 to vector<256x4096xf32>
    %select_n3A_441 = arith.select %eq3A_436, %broadcast_in_dim3A_439, %broadcast_in_dim3A_440 : vector<256x4096xi1>, vector<256x4096xf32>
    %reduce_sum3A_442 = arith.constant dense<0.000000e+00> : vector<256xf32>
    %reduce_sum3A_443 = vector.multi_reduction <add>, %select_n3A_441, %reduce_sum3A_442 [1] : vector<256x4096xf32> to vector<256xf32>
    %jit3A_444 = arith.constant 0.000000e+00 : f32
    %broadcast_in_dim3A_445 = vector.shape_cast %get3A_3 : vector<1x4096xf32> to vector<1x4096xf32>
    %broadcast_in_dim3A_446 = vector.broadcast %broadcast_in_dim3A_445 : vector<1x4096xf32> to vector<256x4096xf32>
    %broadcast_in_dim3A_447 = vector.broadcast %jit3A_444 : f32 to vector<256x4096xf32>
    %select_n3A_448 = arith.select %eq3A_436, %broadcast_in_dim3A_446, %broadcast_in_dim3A_447 : vector<256x4096xi1>, vector<256x4096xf32>
    %reduce_sum3A_449 = arith.constant dense<0.000000e+00> : vector<256xf32>
    %reduce_sum3A_450 = vector.multi_reduction <add>, %select_n3A_448, %reduce_sum3A_449 [1] : vector<256x4096xf32> to vector<256xf32>
    %convert_element_type3A_451 = arith.fptosi %reduce_sum3A_443 : vector<256xf32> to vector<256xi32>
    %reshape3A_452 = vector.shape_cast %convert_element_type3A_451 : vector<256xi32> to vector<1x256xi32>
    %swap3A_453 = arith.constant 0 : index
    %swap3A_454 = arith.constant 0 : index
    %swap3A_455 = arith.constant 256 : index
    %swap3A_456 = vector.load %arg2[%swap3A_453, %swap3A_454, %swap3A_455] : memref<1x1x1024xi32, #tpu.memory_space<vmem>>, vector<1x1x256xi32>
    %swap3A_457 = vector.shape_cast %swap3A_456 : vector<1x1x256xi32> to vector<1x256xi32>
    %swap3A_458 = vector.shape_cast %reshape3A_452 : vector<1x256xi32> to vector<1x1x256xi32>
    tpu.vector_store %arg2[%swap3A_453, %swap3A_454, %swap3A_455], %swap3A_458 {strides = array<i32>} : memref<1x1x1024xi32, #tpu.memory_space<vmem>>, vector<1x1x256xi32>,
    %reshape3A_459 = vector.shape_cast %reduce_sum3A_450 : vector<256xf32> to vector<1x256xf32>
    %swap3A_460 = arith.constant 0 : index
    %swap3A_461 = arith.constant 0 : index
    %swap3A_462 = arith.constant 256 : index
    %swap3A_463 = vector.load %arg3[%swap3A_460, %swap3A_461, %swap3A_462] : memref<1x1x1024xf32, #tpu.memory_space<vmem>>, vector<1x1x256xf32>
    %swap3A_464 = vector.shape_cast %swap3A_463 : vector<1x1x256xf32> to vector<1x256xf32>
    %swap3A_465 = vector.shape_cast %reshape3A_459 : vector<1x256xf32> to vector<1x1x256xf32>
    tpu.vector_store %arg3[%swap3A_460, %swap3A_461, %swap3A_462], %swap3A_465 {strides = array<i32>} : memref<1x1x1024xf32, #tpu.memory_space<vmem>>, vector<1x1x256xf32>,
    %iota3A_466 = tpu.iota {dimensions = array<i32: 0>} : vector<256x1xi32>
    %add3A_467 = arith.constant 512 : i32
    %add3A_468 = vector.broadcast %add3A_467 : i32 to vector<256x1xi32>
    %add3A_469 = arith.addi %iota3A_466, %add3A_468 : vector<256x1xi32>
    %eq3A_470 = vector.broadcast %get3A_396 : vector<1x4096xi32> to vector<256x4096xi32>
    %eq3A_471 = vector.broadcast %add3A_469 : vector<256x1xi32> to vector<256x4096xi32>
    %eq3A_472 = arith.cmpi eq, %eq3A_470, %eq3A_471 : vector<256x4096xi32>
    %jit3A_473 = arith.constant 0.000000e+00 : f32
    %broadcast_in_dim3A_474 = vector.shape_cast %convert_element_type3A : vector<1x4096xf32> to vector<1x4096xf32>
    %broadcast_in_dim3A_475 = vector.broadcast %broadcast_in_dim3A_474 : vector<1x4096xf32> to vector<256x4096xf32>
    %broadcast_in_dim3A_476 = vector.broadcast %jit3A_473 : f32 to vector<256x4096xf32>
    %select_n3A_477 = arith.select %eq3A_472, %broadcast_in_dim3A_475, %broadcast_in_dim3A_476 : vector<256x4096xi1>, vector<256x4096xf32>
    %reduce_sum3A_478 = arith.constant dense<0.000000e+00> : vector<256xf32>
    %reduce_sum3A_479 = vector.multi_reduction <add>, %select_n3A_477, %reduce_sum3A_478 [1] : vector<256x4096xf32> to vector<256xf32>
    %jit3A_480 = arith.constant 0.000000e+00 : f32
    %broadcast_in_dim3A_481 = vector.shape_cast %get3A_3 : vector<1x4096xf32> to vector<1x4096xf32>
    %broadcast_in_dim3A_482 = vector.broadcast %broadcast_in_dim3A_481 : vector<1x4096xf32> to vector<256x4096xf32>
    %broadcast_in_dim3A_483 = vector.broadcast %jit3A_480 : f32 to vector<256x4096xf32>
    %select_n3A_484 = arith.select %eq3A_472, %broadcast_in_dim3A_482, %broadcast_in_dim3A_483 : vector<256x4096xi1>, vector<256x4096xf32>
    %reduce_sum3A_485 = arith.constant dense<0.000000e+00> : vector<256xf32>
    %reduce_sum3A_486 = vector.multi_reduction <add>, %select_n3A_484, %reduce_sum3A_485 [1] : vector<256x4096xf32> to vector<256xf32>
    %convert_element_type3A_487 = arith.fptosi %reduce_sum3A_479 : vector<256xf32> to vector<256xi32>
    %reshape3A_488 = vector.shape_cast %convert_element_type3A_487 : vector<256xi32> to vector<1x256xi32>
    %swap3A_489 = arith.constant 0 : index
    %swap3A_490 = arith.constant 0 : index
    %swap3A_491 = arith.constant 512 : index
    %swap3A_492 = vector.load %arg2[%swap3A_489, %swap3A_490, %swap3A_491] : memref<1x1x1024xi32, #tpu.memory_space<vmem>>, vector<1x1x256xi32>
    %swap3A_493 = vector.shape_cast %swap3A_492 : vector<1x1x256xi32> to vector<1x256xi32>
    %swap3A_494 = vector.shape_cast %reshape3A_488 : vector<1x256xi32> to vector<1x1x256xi32>
    tpu.vector_store %arg2[%swap3A_489, %swap3A_490, %swap3A_491], %swap3A_494 {strides = array<i32>} : memref<1x1x1024xi32, #tpu.memory_space<vmem>>, vector<1x1x256xi32>,
    %reshape3A_495 = vector.shape_cast %reduce_sum3A_486 : vector<256xf32> to vector<1x256xf32>
    %swap3A_496 = arith.constant 0 : index
    %swap3A_497 = arith.constant 0 : index
    %swap3A_498 = arith.constant 512 : index
    %swap3A_499 = vector.load %arg3[%swap3A_496, %swap3A_497, %swap3A_498] : memref<1x1x1024xf32, #tpu.memory_space<vmem>>, vector<1x1x256xf32>
    %swap3A_500 = vector.shape_cast %swap3A_499 : vector<1x1x256xf32> to vector<1x256xf32>
    %swap3A_501 = vector.shape_cast %reshape3A_495 : vector<1x256xf32> to vector<1x1x256xf32>
    tpu.vector_store %arg3[%swap3A_496, %swap3A_497, %swap3A_498], %swap3A_501 {strides = array<i32>} : memref<1x1x1024xf32, #tpu.memory_space<vmem>>, vector<1x1x256xf32>,
    %iota3A_502 = tpu.iota {dimensions = array<i32: 0>} : vector<256x1xi32>
    %add3A_503 = arith.constant 768 : i32
    %add3A_504 = vector.broadcast %add3A_503 : i32 to vector<256x1xi32>
    %add3A_505 = arith.addi %iota3A_502, %add3A_504 : vector<256x1xi32>
    %eq3A_506 = vector.broadcast %get3A_396 : vector<1x4096xi32> to vector<256x4096xi32>
    %eq3A_507 = vector.broadcast %add3A_505 : vector<256x1xi32> to vector<256x4096xi32>
    %eq3A_508 = arith.cmpi eq, %eq3A_506, %eq3A_507 : vector<256x4096xi32>
    %jit3A_509 = arith.constant 0.000000e+00 : f32
    %broadcast_in_dim3A_510 = vector.shape_cast %convert_element_type3A : vector<1x4096xf32> to vector<1x4096xf32>
    %broadcast_in_dim3A_511 = vector.broadcast %broadcast_in_dim3A_510 : vector<1x4096xf32> to vector<256x4096xf32>
    %broadcast_in_dim3A_512 = vector.broadcast %jit3A_509 : f32 to vector<256x4096xf32>
    %select_n3A_513 = arith.select %eq3A_508, %broadcast_in_dim3A_511, %broadcast_in_dim3A_512 : vector<256x4096xi1>, vector<256x4096xf32>
    %reduce_sum3A_514 = arith.constant dense<0.000000e+00> : vector<256xf32>
    %reduce_sum3A_515 = vector.multi_reduction <add>, %select_n3A_513, %reduce_sum3A_514 [1] : vector<256x4096xf32> to vector<256xf32>
    %jit3A_516 = arith.constant 0.000000e+00 : f32
    %broadcast_in_dim3A_517 = vector.shape_cast %get3A_3 : vector<1x4096xf32> to vector<1x4096xf32>
    %broadcast_in_dim3A_518 = vector.broadcast %broadcast_in_dim3A_517 : vector<1x4096xf32> to vector<256x4096xf32>
    %broadcast_in_dim3A_519 = vector.broadcast %jit3A_516 : f32 to vector<256x4096xf32>
    %select_n3A_520 = arith.select %eq3A_508, %broadcast_in_dim3A_518, %broadcast_in_dim3A_519 : vector<256x4096xi1>, vector<256x4096xf32>
    %reduce_sum3A_521 = arith.constant dense<0.000000e+00> : vector<256xf32>
    %reduce_sum3A_522 = vector.multi_reduction <add>, %select_n3A_520, %reduce_sum3A_521 [1] : vector<256x4096xf32> to vector<256xf32>
    %convert_element_type3A_523 = arith.fptosi %reduce_sum3A_515 : vector<256xf32> to vector<256xi32>
    %reshape3A_524 = vector.shape_cast %convert_element_type3A_523 : vector<256xi32> to vector<1x256xi32>
    %swap3A_525 = arith.constant 0 : index
    %swap3A_526 = arith.constant 0 : index
    %swap3A_527 = arith.constant 768 : index
    %swap3A_528 = vector.load %arg2[%swap3A_525, %swap3A_526, %swap3A_527] : memref<1x1x1024xi32, #tpu.memory_space<vmem>>, vector<1x1x256xi32>
    %swap3A_529 = vector.shape_cast %swap3A_528 : vector<1x1x256xi32> to vector<1x256xi32>
    %swap3A_530 = vector.shape_cast %reshape3A_524 : vector<1x256xi32> to vector<1x1x256xi32>
    tpu.vector_store %arg2[%swap3A_525, %swap3A_526, %swap3A_527], %swap3A_530 {strides = array<i32>} : memref<1x1x1024xi32, #tpu.memory_space<vmem>>, vector<1x1x256xi32>,
    %reshape3A_531 = vector.shape_cast %reduce_sum3A_522 : vector<256xf32> to vector<1x256xf32>
    %swap3A_532 = arith.constant 0 : index
    %swap3A_533 = arith.constant 0 : index
    %swap3A_534 = arith.constant 768 : index
    %swap3A_535 = vector.load %arg3[%swap3A_532, %swap3A_533, %swap3A_534] : memref<1x1x1024xf32, #tpu.memory_space<vmem>>, vector<1x1x256xf32>
    %swap3A_536 = vector.shape_cast %swap3A_535 : vector<1x1x256xf32> to vector<1x256xf32>
    %swap3A_537 = vector.shape_cast %reshape3A_531 : vector<1x256xf32> to vector<1x1x256xf32>
    tpu.vector_store %arg3[%swap3A_532, %swap3A_533, %swap3A_534], %swap3A_537 {strides = array<i32>} : memref<1x1x1024xf32, #tpu.memory_space<vmem>>, vector<1x1x256xf32>,
    return
  }
  func.func @transform_0(%arg0: i32) -> (i32, i32, i32) {
    %c0_i32 = arith.constant 0 : i32
    %c0_i32_0 = arith.constant 0 : i32
    %c0_i32_1 = arith.constant 0 : i32
    return %arg0, %c0_i32, %c0_i32_0 : i32, i32, i32
  }
  func.func @transform_1(%arg0: i32) -> (i32, i32, i32) {
    %c0_i32 = arith.constant 0 : i32
    %c0_i32_0 = arith.constant 0 : i32
    %c0_i32_1 = arith.constant 0 : i32
    return %arg0, %c0_i32, %c0_i32_0 : i32, i32, i32
  }
  func.func @transform_2(%arg0: i32) -> (i32, i32, i32) {
    %c0_i32 = arith.constant 0 : i32
    %c0_i32_0 = arith.constant 0 : i32
    %c0_i32_1 = arith.constant 0 : i32
    return %arg0, %c0_i32, %c0_i32_0 : i32, i32, i32
  }
}

module attributes {stable_mosaic.version = 14 : i64} {
  func.func @_mut_body(%arg0: i32, %arg1: memref<1024x256xf32, #tpu.memory_space<vmem>>, %arg2: memref<1024x256xf32, #tpu.memory_space<vmem>>, %arg3: memref<1024x256xf32, #tpu.memory_space<vmem>>) attributes {dimension_semantics = [#tpu.dimension_semantics<arbitrary>], iteration_bounds = array<i64: 4>, scalar_prefetch = 0 : i64, scratch_operands = 0 : i64, tpu.core_type = #tpu.core_type<tc>, window_params = [{transform_indices = @transform_0, window_bounds = array<i64: 1024, 256>}, {transform_indices = @transform_1, window_bounds = array<i64: 1024, 256>}, {transform_indices = @transform_2, window_bounds = array<i64: 1024, 256>}]} {
    %get3A = arith.constant 0 : index
    %get3A_0 = arith.constant 0 : index
    %get3A_1 = vector.load %arg1[%get3A, %get3A_0] : memref<1024x256xf32, #tpu.memory_space<vmem>>, vector<1024x256xf32>
    %get3A_2 = arith.constant 0 : index
    %get3A_3 = arith.constant 0 : index
    %get3A_4 = vector.load %arg2[%get3A_2, %get3A_3] : memref<1024x256xf32, #tpu.memory_space<vmem>>, vector<1024x256xf32>
    %mul3A = arith.constant 1.000000e-01 : f32
    %mul3A_5 = vector.broadcast %mul3A : f32 to vector<1024x256xf32>
    %mul3A_6 = arith.mulf %get3A_4, %mul3A_5 : vector<1024x256xf32>
    %add3A = arith.addf %get3A_1, %mul3A_6 : vector<1024x256xf32>
    %mul3A_7 = arith.mulf %add3A, %add3A : vector<1024x256xf32>
    %reduce_sum3A = arith.constant dense<0.000000e+00> : vector<1024xf32>
    %reduce_sum3A_8 = vector.multi_reduction <add>, %mul3A_7, %reduce_sum3A [1] : vector<1024x256xf32> to vector<1024xf32>
    %broadcast_in_dim3A = vector.shape_cast %reduce_sum3A_8 : vector<1024xf32> to vector<1024x1xf32>
    %sqrt3A = math.sqrt %broadcast_in_dim3A : vector<1024x1xf32>
    %max3A = arith.constant 9.99999996E-13 : f32
    %max3A_9 = vector.broadcast %max3A : f32 to vector<1024x1xf32>
    %max3A_10 = arith.maximumf %sqrt3A, %max3A_9 : vector<1024x1xf32>
    %div3A = vector.broadcast %max3A_10 : vector<1024x1xf32> to vector<1024x256xf32>
    %div3A_11 = arith.divf %add3A, %div3A : vector<1024x256xf32>
    %swap3A = arith.constant 0 : index
    %swap3A_12 = arith.constant 0 : index
    %swap3A_13 = vector.load %arg3[%swap3A, %swap3A_12] : memref<1024x256xf32, #tpu.memory_space<vmem>>, vector<1024x256xf32>
    tpu.vector_store %arg3[%swap3A, %swap3A_12], %div3A_11 {strides = array<i32>} : memref<1024x256xf32, #tpu.memory_space<vmem>>, vector<1024x256xf32>,
    return
  }
  func.func @transform_0(%arg0: i32) -> (i32, i32) {
    %c0_i32 = arith.constant 0 : i32
    %c0_i32_0 = arith.constant 0 : i32
    return %arg0, %c0_i32 : i32, i32
  }
  func.func @transform_1(%arg0: i32) -> (i32, i32) {
    %c0_i32 = arith.constant 0 : i32
    %c0_i32_0 = arith.constant 0 : i32
    return %arg0, %c0_i32 : i32, i32
  }
  func.func @transform_2(%arg0: i32) -> (i32, i32) {
    %c0_i32 = arith.constant 0 : i32
    %c0_i32_0 = arith.constant 0 : i32
    return %arg0, %c0_i32 : i32, i32
  }
}

module attributes {stable_mosaic.version = 14 : i64} {
  func.func @_child_body(%arg0: i32, %arg1: memref<256x1024xf32, #tpu.memory_space<vmem>>, %arg2: memref<256x256xf32, #tpu.memory_space<vmem>>, %arg3: memref<256x256xf32, #tpu.memory_space<vmem>>, %arg4: memref<1x1x1024xf32, #tpu.memory_space<vmem>>, %arg5: memref<8x256xf32, #tpu.memory_space<vmem>>, %arg6: memref<256x256xf32, #tpu.memory_space<vmem>>) attributes {dimension_semantics = [#tpu.dimension_semantics<arbitrary>], iteration_bounds = array<i64: 48>, scalar_prefetch = 0 : i64, scratch_operands = 0 : i64, tpu.core_type = #tpu.core_type<tc>, window_params = [{transform_indices = @transform_0, window_bounds = array<i64: 256, 1024>}, {transform_indices = @transform_1, window_bounds = array<i64: 256, 256>}, {transform_indices = @transform_2, window_bounds = array<i64: 256, 256>}, {transform_indices = @transform_3, window_bounds = array<i64: 1, 1, 1024>}, {transform_indices = @transform_4, window_bounds = array<i64: 8, 256>}, {transform_indices = @transform_5, window_bounds = array<i64: 256, 256>}]} {
    %get3A = arith.constant 0 : index
    %get3A_0 = arith.constant 0 : index
    %get3A_1 = vector.load %arg1[%get3A, %get3A_0] : memref<256x1024xf32, #tpu.memory_space<vmem>>, vector<256x1024xf32>
    %get3A_2 = arith.constant 0 : index
    %get3A_3 = arith.constant 0 : index
    %get3A_4 = arith.constant 0 : index
    %get3A_5 = vector.load %arg4[%get3A_2, %get3A_3, %get3A_4] : memref<1x1x1024xf32, #tpu.memory_space<vmem>>, vector<1x1x1024xf32>
    %get3A_6 = vector.shape_cast %get3A_5 : vector<1x1x1024xf32> to vector<1x1024xf32>
    %iota3A = tpu.iota {dimensions = array<i32: 1>} : vector<256x1024xi32>
    %reduce_min3A = arith.constant dense<0x7F800000> : vector<256xf32>
    %reduce_min3A_7 = vector.multi_reduction <minimumf>, %get3A_1, %reduce_min3A [1] : vector<256x1024xf32> to vector<256xf32>
    %broadcast_in_dim3A = vector.shape_cast %reduce_min3A_7 : vector<256xf32> to vector<256x1xf32>
    %eq3A = vector.broadcast %broadcast_in_dim3A : vector<256x1xf32> to vector<256x1024xf32>
    %eq3A_8 = arith.cmpf oeq, %get3A_1, %eq3A : vector<256x1024xf32>
    %jit3A = arith.constant 1024 : i32
    %broadcast_in_dim3A_9 = vector.broadcast %jit3A : i32 to vector<256x1024xi32>
    %select_n3A = arith.select %eq3A_8, %iota3A, %broadcast_in_dim3A_9 : vector<256x1024xi1>, vector<256x1024xi32>
    %reduce_min3A_10 = arith.constant dense<2147483647> : vector<256xi32>
    %reduce_min3A_11 = vector.multi_reduction <minsi>, %select_n3A, %reduce_min3A_10 [1] : vector<256x1024xi32> to vector<256xi32>
    %broadcast_in_dim3A_12 = vector.shape_cast %reduce_min3A_11 : vector<256xi32> to vector<256x1xi32>
    %eq3A_13 = vector.broadcast %broadcast_in_dim3A_12 : vector<256x1xi32> to vector<256x1024xi32>
    %eq3A_14 = arith.cmpi eq, %iota3A, %eq3A_13 : vector<256x1024xi32>
    %jit3A_15 = arith.constant 0.000000e+00 : f32
    %broadcast_in_dim3A_16 = vector.shape_cast %get3A_6 : vector<1x1024xf32> to vector<1x1024xf32>
    %broadcast_in_dim3A_17 = vector.broadcast %broadcast_in_dim3A_16 : vector<1x1024xf32> to vector<256x1024xf32>
    %broadcast_in_dim3A_18 = vector.broadcast %jit3A_15 : f32 to vector<256x1024xf32>
    %select_n3A_19 = arith.select %eq3A_14, %broadcast_in_dim3A_17, %broadcast_in_dim3A_18 : vector<256x1024xi1>, vector<256x1024xf32>
    %reduce_sum3A = arith.constant dense<0.000000e+00> : vector<256xf32>
    %reduce_sum3A_20 = vector.multi_reduction <add>, %select_n3A_19, %reduce_sum3A [1] : vector<256x1024xf32> to vector<256xf32>
    %broadcast_in_dim3A_21 = vector.shape_cast %reduce_sum3A_20 : vector<256xf32> to vector<256x1xf32>
    %jit3A_22 = arith.constant 0x7F800000 : f32
    %broadcast_in_dim3A_23 = vector.broadcast %jit3A_22 : f32 to vector<256x1024xf32>
    %select_n3A_24 = arith.select %eq3A_14, %broadcast_in_dim3A_23, %get3A_1 : vector<256x1024xi1>, vector<256x1024xf32>
    %reduce_min3A_25 = arith.constant dense<0x7F800000> : vector<256xf32>
    %reduce_min3A_26 = vector.multi_reduction <minimumf>, %select_n3A_24, %reduce_min3A_25 [1] : vector<256x1024xf32> to vector<256xf32>
    %broadcast_in_dim3A_27 = vector.shape_cast %reduce_min3A_26 : vector<256xf32> to vector<256x1xf32>
    %eq3A_28 = vector.broadcast %broadcast_in_dim3A_27 : vector<256x1xf32> to vector<256x1024xf32>
    %eq3A_29 = arith.cmpf oeq, %select_n3A_24, %eq3A_28 : vector<256x1024xf32>
    %jit3A_30 = arith.constant 1024 : i32
    %broadcast_in_dim3A_31 = vector.broadcast %jit3A_30 : i32 to vector<256x1024xi32>
    %select_n3A_32 = arith.select %eq3A_29, %iota3A, %broadcast_in_dim3A_31 : vector<256x1024xi1>, vector<256x1024xi32>
    %reduce_min3A_33 = arith.constant dense<2147483647> : vector<256xi32>
    %reduce_min3A_34 = vector.multi_reduction <minsi>, %select_n3A_32, %reduce_min3A_33 [1] : vector<256x1024xi32> to vector<256xi32>
    %broadcast_in_dim3A_35 = vector.shape_cast %reduce_min3A_34 : vector<256xi32> to vector<256x1xi32>
    %eq3A_36 = vector.broadcast %broadcast_in_dim3A_35 : vector<256x1xi32> to vector<256x1024xi32>
    %eq3A_37 = arith.cmpi eq, %iota3A, %eq3A_36 : vector<256x1024xi32>
    %jit3A_38 = arith.constant 0.000000e+00 : f32
    %broadcast_in_dim3A_39 = vector.shape_cast %get3A_6 : vector<1x1024xf32> to vector<1x1024xf32>
    %broadcast_in_dim3A_40 = vector.broadcast %broadcast_in_dim3A_39 : vector<1x1024xf32> to vector<256x1024xf32>
    %broadcast_in_dim3A_41 = vector.broadcast %jit3A_38 : f32 to vector<256x1024xf32>
    %select_n3A_42 = arith.select %eq3A_37, %broadcast_in_dim3A_40, %broadcast_in_dim3A_41 : vector<256x1024xi1>, vector<256x1024xf32>
    %reduce_sum3A_43 = arith.constant dense<0.000000e+00> : vector<256xf32>
    %reduce_sum3A_44 = vector.multi_reduction <add>, %select_n3A_42, %reduce_sum3A_43 [1] : vector<256x1024xf32> to vector<256xf32>
    %broadcast_in_dim3A_45 = vector.shape_cast %reduce_sum3A_44 : vector<256xf32> to vector<256x1xf32>
    %jit3A_46 = arith.constant 0x7F800000 : f32
    %broadcast_in_dim3A_47 = vector.broadcast %jit3A_46 : f32 to vector<256x1024xf32>
    %select_n3A_48 = arith.select %eq3A_37, %broadcast_in_dim3A_47, %select_n3A_24 : vector<256x1024xi1>, vector<256x1024xf32>
    %reduce_min3A_49 = arith.constant dense<0x7F800000> : vector<256xf32>
    %reduce_min3A_50 = vector.multi_reduction <minimumf>, %select_n3A_48, %reduce_min3A_49 [1] : vector<256x1024xf32> to vector<256xf32>
    %broadcast_in_dim3A_51 = vector.shape_cast %reduce_min3A_50 : vector<256xf32> to vector<256x1xf32>
    %eq3A_52 = vector.broadcast %broadcast_in_dim3A_51 : vector<256x1xf32> to vector<256x1024xf32>
    %eq3A_53 = arith.cmpf oeq, %select_n3A_48, %eq3A_52 : vector<256x1024xf32>
    %jit3A_54 = arith.constant 1024 : i32
    %broadcast_in_dim3A_55 = vector.broadcast %jit3A_54 : i32 to vector<256x1024xi32>
    %select_n3A_56 = arith.select %eq3A_53, %iota3A, %broadcast_in_dim3A_55 : vector<256x1024xi1>, vector<256x1024xi32>
    %reduce_min3A_57 = arith.constant dense<2147483647> : vector<256xi32>
    %reduce_min3A_58 = vector.multi_reduction <minsi>, %select_n3A_56, %reduce_min3A_57 [1] : vector<256x1024xi32> to vector<256xi32>
    %broadcast_in_dim3A_59 = vector.shape_cast %reduce_min3A_58 : vector<256xi32> to vector<256x1xi32>
    %eq3A_60 = vector.broadcast %broadcast_in_dim3A_59 : vector<256x1xi32> to vector<256x1024xi32>
    %eq3A_61 = arith.cmpi eq, %iota3A, %eq3A_60 : vector<256x1024xi32>
    %jit3A_62 = arith.constant 0.000000e+00 : f32
    %broadcast_in_dim3A_63 = vector.shape_cast %get3A_6 : vector<1x1024xf32> to vector<1x1024xf32>
    %broadcast_in_dim3A_64 = vector.broadcast %broadcast_in_dim3A_63 : vector<1x1024xf32> to vector<256x1024xf32>
    %broadcast_in_dim3A_65 = vector.broadcast %jit3A_62 : f32 to vector<256x1024xf32>
    %select_n3A_66 = arith.select %eq3A_61, %broadcast_in_dim3A_64, %broadcast_in_dim3A_65 : vector<256x1024xi1>, vector<256x1024xf32>
    %reduce_sum3A_67 = arith.constant dense<0.000000e+00> : vector<256xf32>
    %reduce_sum3A_68 = vector.multi_reduction <add>, %select_n3A_66, %reduce_sum3A_67 [1] : vector<256x1024xf32> to vector<256xf32>
    %broadcast_in_dim3A_69 = vector.shape_cast %reduce_sum3A_68 : vector<256xf32> to vector<256x1xf32>
    %jit3A_70 = arith.constant 0x7F800000 : f32
    %broadcast_in_dim3A_71 = vector.broadcast %jit3A_70 : f32 to vector<256x1024xf32>
    %select_n3A_72 = arith.select %eq3A_61, %broadcast_in_dim3A_71, %select_n3A_48 : vector<256x1024xi1>, vector<256x1024xf32>
    %reduce_min3A_73 = arith.constant dense<0x7F800000> : vector<256xf32>
    %reduce_min3A_74 = vector.multi_reduction <minimumf>, %select_n3A_72, %reduce_min3A_73 [1] : vector<256x1024xf32> to vector<256xf32>
    %broadcast_in_dim3A_75 = vector.shape_cast %reduce_min3A_74 : vector<256xf32> to vector<256x1xf32>
    %eq3A_76 = vector.broadcast %broadcast_in_dim3A_75 : vector<256x1xf32> to vector<256x1024xf32>
    %eq3A_77 = arith.cmpf oeq, %select_n3A_72, %eq3A_76 : vector<256x1024xf32>
    %jit3A_78 = arith.constant 1024 : i32
    %broadcast_in_dim3A_79 = vector.broadcast %jit3A_78 : i32 to vector<256x1024xi32>
    %select_n3A_80 = arith.select %eq3A_77, %iota3A, %broadcast_in_dim3A_79 : vector<256x1024xi1>, vector<256x1024xi32>
    %reduce_min3A_81 = arith.constant dense<2147483647> : vector<256xi32>
    %reduce_min3A_82 = vector.multi_reduction <minsi>, %select_n3A_80, %reduce_min3A_81 [1] : vector<256x1024xi32> to vector<256xi32>
    %broadcast_in_dim3A_83 = vector.shape_cast %reduce_min3A_82 : vector<256xi32> to vector<256x1xi32>
    %eq3A_84 = vector.broadcast %broadcast_in_dim3A_83 : vector<256x1xi32> to vector<256x1024xi32>
    %eq3A_85 = arith.cmpi eq, %iota3A, %eq3A_84 : vector<256x1024xi32>
    %jit3A_86 = arith.constant 0.000000e+00 : f32
    %broadcast_in_dim3A_87 = vector.shape_cast %get3A_6 : vector<1x1024xf32> to vector<1x1024xf32>
    %broadcast_in_dim3A_88 = vector.broadcast %broadcast_in_dim3A_87 : vector<1x1024xf32> to vector<256x1024xf32>
    %broadcast_in_dim3A_89 = vector.broadcast %jit3A_86 : f32 to vector<256x1024xf32>
    %select_n3A_90 = arith.select %eq3A_85, %broadcast_in_dim3A_88, %broadcast_in_dim3A_89 : vector<256x1024xi1>, vector<256x1024xf32>
    %reduce_sum3A_91 = arith.constant dense<0.000000e+00> : vector<256xf32>
    %reduce_sum3A_92 = vector.multi_reduction <add>, %select_n3A_90, %reduce_sum3A_91 [1] : vector<256x1024xf32> to vector<256xf32>
    %broadcast_in_dim3A_93 = vector.shape_cast %reduce_sum3A_92 : vector<256xf32> to vector<256x1xf32>
    %jit3A_94 = arith.constant 0x7F800000 : f32
    %broadcast_in_dim3A_95 = vector.broadcast %jit3A_94 : f32 to vector<256x1024xf32>
    %select_n3A_96 = arith.select %eq3A_85, %broadcast_in_dim3A_95, %select_n3A_72 : vector<256x1024xi1>, vector<256x1024xf32>
    %reduce_min3A_97 = arith.constant dense<0x7F800000> : vector<256xf32>
    %reduce_min3A_98 = vector.multi_reduction <minimumf>, %select_n3A_96, %reduce_min3A_97 [1] : vector<256x1024xf32> to vector<256xf32>
    %broadcast_in_dim3A_99 = vector.shape_cast %reduce_min3A_98 : vector<256xf32> to vector<256x1xf32>
    %eq3A_100 = vector.broadcast %broadcast_in_dim3A_99 : vector<256x1xf32> to vector<256x1024xf32>
    %eq3A_101 = arith.cmpf oeq, %select_n3A_96, %eq3A_100 : vector<256x1024xf32>
    %jit3A_102 = arith.constant 1024 : i32
    %broadcast_in_dim3A_103 = vector.broadcast %jit3A_102 : i32 to vector<256x1024xi32>
    %select_n3A_104 = arith.select %eq3A_101, %iota3A, %broadcast_in_dim3A_103 : vector<256x1024xi1>, vector<256x1024xi32>
    %reduce_min3A_105 = arith.constant dense<2147483647> : vector<256xi32>
    %reduce_min3A_106 = vector.multi_reduction <minsi>, %select_n3A_104, %reduce_min3A_105 [1] : vector<256x1024xi32> to vector<256xi32>
    %broadcast_in_dim3A_107 = vector.shape_cast %reduce_min3A_106 : vector<256xi32> to vector<256x1xi32>
    %eq3A_108 = vector.broadcast %broadcast_in_dim3A_107 : vector<256x1xi32> to vector<256x1024xi32>
    %eq3A_109 = arith.cmpi eq, %iota3A, %eq3A_108 : vector<256x1024xi32>
    %jit3A_110 = arith.constant 0.000000e+00 : f32
    %broadcast_in_dim3A_111 = vector.shape_cast %get3A_6 : vector<1x1024xf32> to vector<1x1024xf32>
    %broadcast_in_dim3A_112 = vector.broadcast %broadcast_in_dim3A_111 : vector<1x1024xf32> to vector<256x1024xf32>
    %broadcast_in_dim3A_113 = vector.broadcast %jit3A_110 : f32 to vector<256x1024xf32>
    %select_n3A_114 = arith.select %eq3A_109, %broadcast_in_dim3A_112, %broadcast_in_dim3A_113 : vector<256x1024xi1>, vector<256x1024xf32>
    %reduce_sum3A_115 = arith.constant dense<0.000000e+00> : vector<256xf32>
    %reduce_sum3A_116 = vector.multi_reduction <add>, %select_n3A_114, %reduce_sum3A_115 [1] : vector<256x1024xf32> to vector<256xf32>
    %broadcast_in_dim3A_117 = vector.shape_cast %reduce_sum3A_116 : vector<256xf32> to vector<256x1xf32>
    %jit3A_118 = arith.constant 0x7F800000 : f32
    %broadcast_in_dim3A_119 = vector.broadcast %jit3A_118 : f32 to vector<256x1024xf32>
    %select_n3A_120 = arith.select %eq3A_109, %broadcast_in_dim3A_119, %select_n3A_96 : vector<256x1024xi1>, vector<256x1024xf32>
    %reduce_min3A_121 = arith.constant dense<0x7F800000> : vector<256xf32>
    %reduce_min3A_122 = vector.multi_reduction <minimumf>, %select_n3A_120, %reduce_min3A_121 [1] : vector<256x1024xf32> to vector<256xf32>
    %broadcast_in_dim3A_123 = vector.shape_cast %reduce_min3A_122 : vector<256xf32> to vector<256x1xf32>
    %eq3A_124 = vector.broadcast %broadcast_in_dim3A_123 : vector<256x1xf32> to vector<256x1024xf32>
    %eq3A_125 = arith.cmpf oeq, %select_n3A_120, %eq3A_124 : vector<256x1024xf32>
    %jit3A_126 = arith.constant 1024 : i32
    %broadcast_in_dim3A_127 = vector.broadcast %jit3A_126 : i32 to vector<256x1024xi32>
    %select_n3A_128 = arith.select %eq3A_125, %iota3A, %broadcast_in_dim3A_127 : vector<256x1024xi1>, vector<256x1024xi32>
    %reduce_min3A_129 = arith.constant dense<2147483647> : vector<256xi32>
    %reduce_min3A_130 = vector.multi_reduction <minsi>, %select_n3A_128, %reduce_min3A_129 [1] : vector<256x1024xi32> to vector<256xi32>
    %broadcast_in_dim3A_131 = vector.shape_cast %reduce_min3A_130 : vector<256xi32> to vector<256x1xi32>
    %eq3A_132 = vector.broadcast %broadcast_in_dim3A_131 : vector<256x1xi32> to vector<256x1024xi32>
    %eq3A_133 = arith.cmpi eq, %iota3A, %eq3A_132 : vector<256x1024xi32>
    %jit3A_134 = arith.constant 0.000000e+00 : f32
    %broadcast_in_dim3A_135 = vector.shape_cast %get3A_6 : vector<1x1024xf32> to vector<1x1024xf32>
    %broadcast_in_dim3A_136 = vector.broadcast %broadcast_in_dim3A_135 : vector<1x1024xf32> to vector<256x1024xf32>
    %broadcast_in_dim3A_137 = vector.broadcast %jit3A_134 : f32 to vector<256x1024xf32>
    %select_n3A_138 = arith.select %eq3A_133, %broadcast_in_dim3A_136, %broadcast_in_dim3A_137 : vector<256x1024xi1>, vector<256x1024xf32>
    %reduce_sum3A_139 = arith.constant dense<0.000000e+00> : vector<256xf32>
    %reduce_sum3A_140 = vector.multi_reduction <add>, %select_n3A_138, %reduce_sum3A_139 [1] : vector<256x1024xf32> to vector<256xf32>
    %broadcast_in_dim3A_141 = vector.shape_cast %reduce_sum3A_140 : vector<256xf32> to vector<256x1xf32>
    %jit3A_142 = arith.constant 0x7F800000 : f32
    %broadcast_in_dim3A_143 = vector.broadcast %jit3A_142 : f32 to vector<256x1024xf32>
    %select_n3A_144 = arith.select %eq3A_133, %broadcast_in_dim3A_143, %select_n3A_120 : vector<256x1024xi1>, vector<256x1024xf32>
    %reduce_min3A_145 = arith.constant dense<0x7F800000> : vector<256xf32>
    %reduce_min3A_146 = vector.multi_reduction <minimumf>, %select_n3A_144, %reduce_min3A_145 [1] : vector<256x1024xf32> to vector<256xf32>
    %broadcast_in_dim3A_147 = vector.shape_cast %reduce_min3A_146 : vector<256xf32> to vector<256x1xf32>
    %eq3A_148 = vector.broadcast %broadcast_in_dim3A_147 : vector<256x1xf32> to vector<256x1024xf32>
    %eq3A_149 = arith.cmpf oeq, %select_n3A_144, %eq3A_148 : vector<256x1024xf32>
    %jit3A_150 = arith.constant 1024 : i32
    %broadcast_in_dim3A_151 = vector.broadcast %jit3A_150 : i32 to vector<256x1024xi32>
    %select_n3A_152 = arith.select %eq3A_149, %iota3A, %broadcast_in_dim3A_151 : vector<256x1024xi1>, vector<256x1024xi32>
    %reduce_min3A_153 = arith.constant dense<2147483647> : vector<256xi32>
    %reduce_min3A_154 = vector.multi_reduction <minsi>, %select_n3A_152, %reduce_min3A_153 [1] : vector<256x1024xi32> to vector<256xi32>
    %broadcast_in_dim3A_155 = vector.shape_cast %reduce_min3A_154 : vector<256xi32> to vector<256x1xi32>
    %eq3A_156 = vector.broadcast %broadcast_in_dim3A_155 : vector<256x1xi32> to vector<256x1024xi32>
    %eq3A_157 = arith.cmpi eq, %iota3A, %eq3A_156 : vector<256x1024xi32>
    %jit3A_158 = arith.constant 0.000000e+00 : f32
    %broadcast_in_dim3A_159 = vector.shape_cast %get3A_6 : vector<1x1024xf32> to vector<1x1024xf32>
    %broadcast_in_dim3A_160 = vector.broadcast %broadcast_in_dim3A_159 : vector<1x1024xf32> to vector<256x1024xf32>
    %broadcast_in_dim3A_161 = vector.broadcast %jit3A_158 : f32 to vector<256x1024xf32>
    %select_n3A_162 = arith.select %eq3A_157, %broadcast_in_dim3A_160, %broadcast_in_dim3A_161 : vector<256x1024xi1>, vector<256x1024xf32>
    %reduce_sum3A_163 = arith.constant dense<0.000000e+00> : vector<256xf32>
    %reduce_sum3A_164 = vector.multi_reduction <add>, %select_n3A_162, %reduce_sum3A_163 [1] : vector<256x1024xf32> to vector<256xf32>
    %broadcast_in_dim3A_165 = vector.shape_cast %reduce_sum3A_164 : vector<256xf32> to vector<256x1xf32>
    %jit3A_166 = arith.constant 0x7F800000 : f32
    %broadcast_in_dim3A_167 = vector.broadcast %jit3A_166 : f32 to vector<256x1024xf32>
    %select_n3A_168 = arith.select %eq3A_157, %broadcast_in_dim3A_167, %select_n3A_144 : vector<256x1024xi1>, vector<256x1024xf32>
    %reduce_min3A_169 = arith.constant dense<0x7F800000> : vector<256xf32>
    %reduce_min3A_170 = vector.multi_reduction <minimumf>, %select_n3A_168, %reduce_min3A_169 [1] : vector<256x1024xf32> to vector<256xf32>
    %broadcast_in_dim3A_171 = vector.shape_cast %reduce_min3A_170 : vector<256xf32> to vector<256x1xf32>
    %eq3A_172 = vector.broadcast %broadcast_in_dim3A_171 : vector<256x1xf32> to vector<256x1024xf32>
    %eq3A_173 = arith.cmpf oeq, %select_n3A_168, %eq3A_172 : vector<256x1024xf32>
    %jit3A_174 = arith.constant 1024 : i32
    %broadcast_in_dim3A_175 = vector.broadcast %jit3A_174 : i32 to vector<256x1024xi32>
    %select_n3A_176 = arith.select %eq3A_173, %iota3A, %broadcast_in_dim3A_175 : vector<256x1024xi1>, vector<256x1024xi32>
    %reduce_min3A_177 = arith.constant dense<2147483647> : vector<256xi32>
    %reduce_min3A_178 = vector.multi_reduction <minsi>, %select_n3A_176, %reduce_min3A_177 [1] : vector<256x1024xi32> to vector<256xi32>
    %broadcast_in_dim3A_179 = vector.shape_cast %reduce_min3A_178 : vector<256xi32> to vector<256x1xi32>
    %eq3A_180 = vector.broadcast %broadcast_in_dim3A_179 : vector<256x1xi32> to vector<256x1024xi32>
    %eq3A_181 = arith.cmpi eq, %iota3A, %eq3A_180 : vector<256x1024xi32>
    %jit3A_182 = arith.constant 0.000000e+00 : f32
    %broadcast_in_dim3A_183 = vector.shape_cast %get3A_6 : vector<1x1024xf32> to vector<1x1024xf32>
    %broadcast_in_dim3A_184 = vector.broadcast %broadcast_in_dim3A_183 : vector<1x1024xf32> to vector<256x1024xf32>
    %broadcast_in_dim3A_185 = vector.broadcast %jit3A_182 : f32 to vector<256x1024xf32>
    %select_n3A_186 = arith.select %eq3A_181, %broadcast_in_dim3A_184, %broadcast_in_dim3A_185 : vector<256x1024xi1>, vector<256x1024xf32>
    %reduce_sum3A_187 = arith.constant dense<0.000000e+00> : vector<256xf32>
    %reduce_sum3A_188 = vector.multi_reduction <add>, %select_n3A_186, %reduce_sum3A_187 [1] : vector<256x1024xf32> to vector<256xf32>
    %broadcast_in_dim3A_189 = vector.shape_cast %reduce_sum3A_188 : vector<256xf32> to vector<256x1xf32>
    %concatenate3A = tpu.concatenate %broadcast_in_dim3A_21, %broadcast_in_dim3A_45, %broadcast_in_dim3A_69, %broadcast_in_dim3A_93, %broadcast_in_dim3A_117, %broadcast_in_dim3A_141, %broadcast_in_dim3A_165, %broadcast_in_dim3A_189 in 1 : vector<256x1xf32>, vector<256x1xf32>, vector<256x1xf32>, vector<256x1xf32>, vector<256x1xf32>, vector<256x1xf32>, vector<256x1xf32>, vector<256x1xf32> -> vector<256x8xf32>
    %iota3A_190 = tpu.iota {dimensions = array<i32: 1>} : vector<256x8xi32>
    %reduce_max3A = arith.constant dense<0xFF800000> : vector<256xf32>
    %reduce_max3A_191 = vector.multi_reduction <maximumf>, %concatenate3A, %reduce_max3A [1] : vector<256x8xf32> to vector<256xf32>
    %broadcast_in_dim3A_192 = vector.shape_cast %reduce_max3A_191 : vector<256xf32> to vector<256x1xf32>
    %eq3A_193 = vector.broadcast %broadcast_in_dim3A_192 : vector<256x1xf32> to vector<256x8xf32>
    %eq3A_194 = arith.cmpf oeq, %concatenate3A, %eq3A_193 : vector<256x8xf32>
    %jit3A_195 = arith.constant 8 : i32
    %broadcast_in_dim3A_196 = vector.broadcast %jit3A_195 : i32 to vector<256x8xi32>
    %select_n3A_197 = arith.select %eq3A_194, %iota3A_190, %broadcast_in_dim3A_196 : vector<256x8xi1>, vector<256x8xi32>
    %reduce_min3A_198 = arith.constant dense<2147483647> : vector<256xi32>
    %reduce_min3A_199 = vector.multi_reduction <minsi>, %select_n3A_197, %reduce_min3A_198 [1] : vector<256x8xi32> to vector<256xi32>
    %broadcast_in_dim3A_200 = vector.shape_cast %reduce_min3A_199 : vector<256xi32> to vector<256x1xi32>
    %eq3A_201 = vector.broadcast %broadcast_in_dim3A_200 : vector<256x1xi32> to vector<256x8xi32>
    %eq3A_202 = arith.cmpi eq, %iota3A_190, %eq3A_201 : vector<256x8xi32>
    %jit3A_203 = arith.constant 0xFF800000 : f32
    %broadcast_in_dim3A_204 = vector.broadcast %jit3A_203 : f32 to vector<256x8xf32>
    %select_n3A_205 = arith.select %eq3A_202, %broadcast_in_dim3A_204, %concatenate3A : vector<256x8xi1>, vector<256x8xf32>
    %reduce_max3A_206 = arith.constant dense<0xFF800000> : vector<256xf32>
    %reduce_max3A_207 = vector.multi_reduction <maximumf>, %select_n3A_205, %reduce_max3A_206 [1] : vector<256x8xf32> to vector<256xf32>
    %broadcast_in_dim3A_208 = vector.shape_cast %reduce_max3A_207 : vector<256xf32> to vector<256x1xf32>
    %eq3A_209 = vector.broadcast %broadcast_in_dim3A_208 : vector<256x1xf32> to vector<256x8xf32>
    %eq3A_210 = arith.cmpf oeq, %select_n3A_205, %eq3A_209 : vector<256x8xf32>
    %jit3A_211 = arith.constant 8 : i32
    %broadcast_in_dim3A_212 = vector.broadcast %jit3A_211 : i32 to vector<256x8xi32>
    %select_n3A_213 = arith.select %eq3A_210, %iota3A_190, %broadcast_in_dim3A_212 : vector<256x8xi1>, vector<256x8xi32>
    %reduce_min3A_214 = arith.constant dense<2147483647> : vector<256xi32>
    %reduce_min3A_215 = vector.multi_reduction <minsi>, %select_n3A_213, %reduce_min3A_214 [1] : vector<256x8xi32> to vector<256xi32>
    %broadcast_in_dim3A_216 = vector.shape_cast %reduce_min3A_215 : vector<256xi32> to vector<256x1xi32>
    %get3A_217 = arith.constant 0 : index
    %get3A_218 = arith.constant 0 : index
    %get3A_219 = vector.load %arg5[%get3A_217, %get3A_218] : memref<8x256xf32, #tpu.memory_space<vmem>>, vector<8x256xf32>
    %broadcast_in_dim3A_220 = arith.constant 0.000000e+00 : f32
    %broadcast_in_dim3A_221 = vector.broadcast %broadcast_in_dim3A_220 : f32 to vector<256x256xf32>
    %broadcast_in_dim3A_222 = arith.constant 0.000000e+00 : f32
    %broadcast_in_dim3A_223 = vector.broadcast %broadcast_in_dim3A_222 : f32 to vector<256x256xf32>
    %slice3A = vector.extract_strided_slice %get3A_219 {offsets = [0, 0], sizes = [1, 256], strides = [1, 1]} : vector<8x256xf32> to vector<1x256xf32>
    %squeeze3A = vector.shape_cast %slice3A : vector<1x256xf32> to vector<256xf32>
    %reshape3A = vector.shape_cast %squeeze3A : vector<256xf32> to vector<1x256xf32>
    %eq3A_224 = arith.constant 0 : i32
    %eq3A_225 = vector.broadcast %eq3A_224 : i32 to vector<256x1xi32>
    %eq3A_226 = arith.cmpi eq, %broadcast_in_dim3A_200, %eq3A_225 : vector<256x1xi32>
    %broadcast_in_dim3A_227 = vector.shape_cast %eq3A_226 : vector<256x1xi1> to vector<256x1xi1>
    %broadcast_in_dim3A_228 = vector.broadcast %broadcast_in_dim3A_227 : vector<256x1xi1> to vector<256x256xi1>
    %broadcast_in_dim3A_229 = vector.shape_cast %reshape3A : vector<1x256xf32> to vector<1x256xf32>
    %broadcast_in_dim3A_230 = vector.broadcast %broadcast_in_dim3A_229 : vector<1x256xf32> to vector<256x256xf32>
    %select_n3A_231 = arith.select %broadcast_in_dim3A_228, %broadcast_in_dim3A_230, %broadcast_in_dim3A_221 : vector<256x256xi1>, vector<256x256xf32>
    %eq3A_232 = arith.constant 0 : i32
    %eq3A_233 = vector.broadcast %eq3A_232 : i32 to vector<256x1xi32>
    %eq3A_234 = arith.cmpi eq, %broadcast_in_dim3A_216, %eq3A_233 : vector<256x1xi32>
    %broadcast_in_dim3A_235 = vector.shape_cast %eq3A_234 : vector<256x1xi1> to vector<256x1xi1>
    %broadcast_in_dim3A_236 = vector.broadcast %broadcast_in_dim3A_235 : vector<256x1xi1> to vector<256x256xi1>
    %broadcast_in_dim3A_237 = vector.shape_cast %reshape3A : vector<1x256xf32> to vector<1x256xf32>
    %broadcast_in_dim3A_238 = vector.broadcast %broadcast_in_dim3A_237 : vector<1x256xf32> to vector<256x256xf32>
    %select_n3A_239 = arith.select %broadcast_in_dim3A_236, %broadcast_in_dim3A_238, %broadcast_in_dim3A_223 : vector<256x256xi1>, vector<256x256xf32>
    %slice3A_240 = vector.extract_strided_slice %get3A_219 {offsets = [1, 0], sizes = [1, 256], strides = [1, 1]} : vector<8x256xf32> to vector<1x256xf32>
    %squeeze3A_241 = vector.shape_cast %slice3A_240 : vector<1x256xf32> to vector<256xf32>
    %reshape3A_242 = vector.shape_cast %squeeze3A_241 : vector<256xf32> to vector<1x256xf32>
    %eq3A_243 = arith.constant 1 : i32
    %eq3A_244 = vector.broadcast %eq3A_243 : i32 to vector<256x1xi32>
    %eq3A_245 = arith.cmpi eq, %broadcast_in_dim3A_200, %eq3A_244 : vector<256x1xi32>
    %broadcast_in_dim3A_246 = vector.shape_cast %eq3A_245 : vector<256x1xi1> to vector<256x1xi1>
    %broadcast_in_dim3A_247 = vector.broadcast %broadcast_in_dim3A_246 : vector<256x1xi1> to vector<256x256xi1>
    %broadcast_in_dim3A_248 = vector.shape_cast %reshape3A_242 : vector<1x256xf32> to vector<1x256xf32>
    %broadcast_in_dim3A_249 = vector.broadcast %broadcast_in_dim3A_248 : vector<1x256xf32> to vector<256x256xf32>
    %select_n3A_250 = arith.select %broadcast_in_dim3A_247, %broadcast_in_dim3A_249, %select_n3A_231 : vector<256x256xi1>, vector<256x256xf32>
    %eq3A_251 = arith.constant 1 : i32
    %eq3A_252 = vector.broadcast %eq3A_251 : i32 to vector<256x1xi32>
    %eq3A_253 = arith.cmpi eq, %broadcast_in_dim3A_216, %eq3A_252 : vector<256x1xi32>
    %broadcast_in_dim3A_254 = vector.shape_cast %eq3A_253 : vector<256x1xi1> to vector<256x1xi1>
    %broadcast_in_dim3A_255 = vector.broadcast %broadcast_in_dim3A_254 : vector<256x1xi1> to vector<256x256xi1>
    %broadcast_in_dim3A_256 = vector.shape_cast %reshape3A_242 : vector<1x256xf32> to vector<1x256xf32>
    %broadcast_in_dim3A_257 = vector.broadcast %broadcast_in_dim3A_256 : vector<1x256xf32> to vector<256x256xf32>
    %select_n3A_258 = arith.select %broadcast_in_dim3A_255, %broadcast_in_dim3A_257, %select_n3A_239 : vector<256x256xi1>, vector<256x256xf32>
    %slice3A_259 = vector.extract_strided_slice %get3A_219 {offsets = [2, 0], sizes = [1, 256], strides = [1, 1]} : vector<8x256xf32> to vector<1x256xf32>
    %squeeze3A_260 = vector.shape_cast %slice3A_259 : vector<1x256xf32> to vector<256xf32>
    %reshape3A_261 = vector.shape_cast %squeeze3A_260 : vector<256xf32> to vector<1x256xf32>
    %eq3A_262 = arith.constant 2 : i32
    %eq3A_263 = vector.broadcast %eq3A_262 : i32 to vector<256x1xi32>
    %eq3A_264 = arith.cmpi eq, %broadcast_in_dim3A_200, %eq3A_263 : vector<256x1xi32>
    %broadcast_in_dim3A_265 = vector.shape_cast %eq3A_264 : vector<256x1xi1> to vector<256x1xi1>
    %broadcast_in_dim3A_266 = vector.broadcast %broadcast_in_dim3A_265 : vector<256x1xi1> to vector<256x256xi1>
    %broadcast_in_dim3A_267 = vector.shape_cast %reshape3A_261 : vector<1x256xf32> to vector<1x256xf32>
    %broadcast_in_dim3A_268 = vector.broadcast %broadcast_in_dim3A_267 : vector<1x256xf32> to vector<256x256xf32>
    %select_n3A_269 = arith.select %broadcast_in_dim3A_266, %broadcast_in_dim3A_268, %select_n3A_250 : vector<256x256xi1>, vector<256x256xf32>
    %eq3A_270 = arith.constant 2 : i32
    %eq3A_271 = vector.broadcast %eq3A_270 : i32 to vector<256x1xi32>
    %eq3A_272 = arith.cmpi eq, %broadcast_in_dim3A_216, %eq3A_271 : vector<256x1xi32>
    %broadcast_in_dim3A_273 = vector.shape_cast %eq3A_272 : vector<256x1xi1> to vector<256x1xi1>
    %broadcast_in_dim3A_274 = vector.broadcast %broadcast_in_dim3A_273 : vector<256x1xi1> to vector<256x256xi1>
    %broadcast_in_dim3A_275 = vector.shape_cast %reshape3A_261 : vector<1x256xf32> to vector<1x256xf32>
    %broadcast_in_dim3A_276 = vector.broadcast %broadcast_in_dim3A_275 : vector<1x256xf32> to vector<256x256xf32>
    %select_n3A_277 = arith.select %broadcast_in_dim3A_274, %broadcast_in_dim3A_276, %select_n3A_258 : vector<256x256xi1>, vector<256x256xf32>
    %slice3A_278 = vector.extract_strided_slice %get3A_219 {offsets = [3, 0], sizes = [1, 256], strides = [1, 1]} : vector<8x256xf32> to vector<1x256xf32>
    %squeeze3A_279 = vector.shape_cast %slice3A_278 : vector<1x256xf32> to vector<256xf32>
    %reshape3A_280 = vector.shape_cast %squeeze3A_279 : vector<256xf32> to vector<1x256xf32>
    %eq3A_281 = arith.constant 3 : i32
    %eq3A_282 = vector.broadcast %eq3A_281 : i32 to vector<256x1xi32>
    %eq3A_283 = arith.cmpi eq, %broadcast_in_dim3A_200, %eq3A_282 : vector<256x1xi32>
    %broadcast_in_dim3A_284 = vector.shape_cast %eq3A_283 : vector<256x1xi1> to vector<256x1xi1>
    %broadcast_in_dim3A_285 = vector.broadcast %broadcast_in_dim3A_284 : vector<256x1xi1> to vector<256x256xi1>
    %broadcast_in_dim3A_286 = vector.shape_cast %reshape3A_280 : vector<1x256xf32> to vector<1x256xf32>
    %broadcast_in_dim3A_287 = vector.broadcast %broadcast_in_dim3A_286 : vector<1x256xf32> to vector<256x256xf32>
    %select_n3A_288 = arith.select %broadcast_in_dim3A_285, %broadcast_in_dim3A_287, %select_n3A_269 : vector<256x256xi1>, vector<256x256xf32>
    %eq3A_289 = arith.constant 3 : i32
    %eq3A_290 = vector.broadcast %eq3A_289 : i32 to vector<256x1xi32>
    %eq3A_291 = arith.cmpi eq, %broadcast_in_dim3A_216, %eq3A_290 : vector<256x1xi32>
    %broadcast_in_dim3A_292 = vector.shape_cast %eq3A_291 : vector<256x1xi1> to vector<256x1xi1>
    %broadcast_in_dim3A_293 = vector.broadcast %broadcast_in_dim3A_292 : vector<256x1xi1> to vector<256x256xi1>
    %broadcast_in_dim3A_294 = vector.shape_cast %reshape3A_280 : vector<1x256xf32> to vector<1x256xf32>
    %broadcast_in_dim3A_295 = vector.broadcast %broadcast_in_dim3A_294 : vector<1x256xf32> to vector<256x256xf32>
    %select_n3A_296 = arith.select %broadcast_in_dim3A_293, %broadcast_in_dim3A_295, %select_n3A_277 : vector<256x256xi1>, vector<256x256xf32>
    %slice3A_297 = vector.extract_strided_slice %get3A_219 {offsets = [4, 0], sizes = [1, 256], strides = [1, 1]} : vector<8x256xf32> to vector<1x256xf32>
    %squeeze3A_298 = vector.shape_cast %slice3A_297 : vector<1x256xf32> to vector<256xf32>
    %reshape3A_299 = vector.shape_cast %squeeze3A_298 : vector<256xf32> to vector<1x256xf32>
    %eq3A_300 = arith.constant 4 : i32
    %eq3A_301 = vector.broadcast %eq3A_300 : i32 to vector<256x1xi32>
    %eq3A_302 = arith.cmpi eq, %broadcast_in_dim3A_200, %eq3A_301 : vector<256x1xi32>
    %broadcast_in_dim3A_303 = vector.shape_cast %eq3A_302 : vector<256x1xi1> to vector<256x1xi1>
    %broadcast_in_dim3A_304 = vector.broadcast %broadcast_in_dim3A_303 : vector<256x1xi1> to vector<256x256xi1>
    %broadcast_in_dim3A_305 = vector.shape_cast %reshape3A_299 : vector<1x256xf32> to vector<1x256xf32>
    %broadcast_in_dim3A_306 = vector.broadcast %broadcast_in_dim3A_305 : vector<1x256xf32> to vector<256x256xf32>
    %select_n3A_307 = arith.select %broadcast_in_dim3A_304, %broadcast_in_dim3A_306, %select_n3A_288 : vector<256x256xi1>, vector<256x256xf32>
    %eq3A_308 = arith.constant 4 : i32
    %eq3A_309 = vector.broadcast %eq3A_308 : i32 to vector<256x1xi32>
    %eq3A_310 = arith.cmpi eq, %broadcast_in_dim3A_216, %eq3A_309 : vector<256x1xi32>
    %broadcast_in_dim3A_311 = vector.shape_cast %eq3A_310 : vector<256x1xi1> to vector<256x1xi1>
    %broadcast_in_dim3A_312 = vector.broadcast %broadcast_in_dim3A_311 : vector<256x1xi1> to vector<256x256xi1>
    %broadcast_in_dim3A_313 = vector.shape_cast %reshape3A_299 : vector<1x256xf32> to vector<1x256xf32>
    %broadcast_in_dim3A_314 = vector.broadcast %broadcast_in_dim3A_313 : vector<1x256xf32> to vector<256x256xf32>
    %select_n3A_315 = arith.select %broadcast_in_dim3A_312, %broadcast_in_dim3A_314, %select_n3A_296 : vector<256x256xi1>, vector<256x256xf32>
    %slice3A_316 = vector.extract_strided_slice %get3A_219 {offsets = [5, 0], sizes = [1, 256], strides = [1, 1]} : vector<8x256xf32> to vector<1x256xf32>
    %squeeze3A_317 = vector.shape_cast %slice3A_316 : vector<1x256xf32> to vector<256xf32>
    %reshape3A_318 = vector.shape_cast %squeeze3A_317 : vector<256xf32> to vector<1x256xf32>
    %eq3A_319 = arith.constant 5 : i32
    %eq3A_320 = vector.broadcast %eq3A_319 : i32 to vector<256x1xi32>
    %eq3A_321 = arith.cmpi eq, %broadcast_in_dim3A_200, %eq3A_320 : vector<256x1xi32>
    %broadcast_in_dim3A_322 = vector.shape_cast %eq3A_321 : vector<256x1xi1> to vector<256x1xi1>
    %broadcast_in_dim3A_323 = vector.broadcast %broadcast_in_dim3A_322 : vector<256x1xi1> to vector<256x256xi1>
    %broadcast_in_dim3A_324 = vector.shape_cast %reshape3A_318 : vector<1x256xf32> to vector<1x256xf32>
    %broadcast_in_dim3A_325 = vector.broadcast %broadcast_in_dim3A_324 : vector<1x256xf32> to vector<256x256xf32>
    %select_n3A_326 = arith.select %broadcast_in_dim3A_323, %broadcast_in_dim3A_325, %select_n3A_307 : vector<256x256xi1>, vector<256x256xf32>
    %eq3A_327 = arith.constant 5 : i32
    %eq3A_328 = vector.broadcast %eq3A_327 : i32 to vector<256x1xi32>
    %eq3A_329 = arith.cmpi eq, %broadcast_in_dim3A_216, %eq3A_328 : vector<256x1xi32>
    %broadcast_in_dim3A_330 = vector.shape_cast %eq3A_329 : vector<256x1xi1> to vector<256x1xi1>
    %broadcast_in_dim3A_331 = vector.broadcast %broadcast_in_dim3A_330 : vector<256x1xi1> to vector<256x256xi1>
    %broadcast_in_dim3A_332 = vector.shape_cast %reshape3A_318 : vector<1x256xf32> to vector<1x256xf32>
    %broadcast_in_dim3A_333 = vector.broadcast %broadcast_in_dim3A_332 : vector<1x256xf32> to vector<256x256xf32>
    %select_n3A_334 = arith.select %broadcast_in_dim3A_331, %broadcast_in_dim3A_333, %select_n3A_315 : vector<256x256xi1>, vector<256x256xf32>
    %slice3A_335 = vector.extract_strided_slice %get3A_219 {offsets = [6, 0], sizes = [1, 256], strides = [1, 1]} : vector<8x256xf32> to vector<1x256xf32>
    %squeeze3A_336 = vector.shape_cast %slice3A_335 : vector<1x256xf32> to vector<256xf32>
    %reshape3A_337 = vector.shape_cast %squeeze3A_336 : vector<256xf32> to vector<1x256xf32>
    %eq3A_338 = arith.constant 6 : i32
    %eq3A_339 = vector.broadcast %eq3A_338 : i32 to vector<256x1xi32>
    %eq3A_340 = arith.cmpi eq, %broadcast_in_dim3A_200, %eq3A_339 : vector<256x1xi32>
    %broadcast_in_dim3A_341 = vector.shape_cast %eq3A_340 : vector<256x1xi1> to vector<256x1xi1>
    %broadcast_in_dim3A_342 = vector.broadcast %broadcast_in_dim3A_341 : vector<256x1xi1> to vector<256x256xi1>
    %broadcast_in_dim3A_343 = vector.shape_cast %reshape3A_337 : vector<1x256xf32> to vector<1x256xf32>
    %broadcast_in_dim3A_344 = vector.broadcast %broadcast_in_dim3A_343 : vector<1x256xf32> to vector<256x256xf32>
    %select_n3A_345 = arith.select %broadcast_in_dim3A_342, %broadcast_in_dim3A_344, %select_n3A_326 : vector<256x256xi1>, vector<256x256xf32>
    %eq3A_346 = arith.constant 6 : i32
    %eq3A_347 = vector.broadcast %eq3A_346 : i32 to vector<256x1xi32>
    %eq3A_348 = arith.cmpi eq, %broadcast_in_dim3A_216, %eq3A_347 : vector<256x1xi32>
    %broadcast_in_dim3A_349 = vector.shape_cast %eq3A_348 : vector<256x1xi1> to vector<256x1xi1>
    %broadcast_in_dim3A_350 = vector.broadcast %broadcast_in_dim3A_349 : vector<256x1xi1> to vector<256x256xi1>
    %broadcast_in_dim3A_351 = vector.shape_cast %reshape3A_337 : vector<1x256xf32> to vector<1x256xf32>
    %broadcast_in_dim3A_352 = vector.broadcast %broadcast_in_dim3A_351 : vector<1x256xf32> to vector<256x256xf32>
    %select_n3A_353 = arith.select %broadcast_in_dim3A_350, %broadcast_in_dim3A_352, %select_n3A_334 : vector<256x256xi1>, vector<256x256xf32>
    %slice3A_354 = vector.extract_strided_slice %get3A_219 {offsets = [7, 0], sizes = [1, 256], strides = [1, 1]} : vector<8x256xf32> to vector<1x256xf32>
    %squeeze3A_355 = vector.shape_cast %slice3A_354 : vector<1x256xf32> to vector<256xf32>
    %reshape3A_356 = vector.shape_cast %squeeze3A_355 : vector<256xf32> to vector<1x256xf32>
    %eq3A_357 = arith.constant 7 : i32
    %eq3A_358 = vector.broadcast %eq3A_357 : i32 to vector<256x1xi32>
    %eq3A_359 = arith.cmpi eq, %broadcast_in_dim3A_200, %eq3A_358 : vector<256x1xi32>
    %broadcast_in_dim3A_360 = vector.shape_cast %eq3A_359 : vector<256x1xi1> to vector<256x1xi1>
    %broadcast_in_dim3A_361 = vector.broadcast %broadcast_in_dim3A_360 : vector<256x1xi1> to vector<256x256xi1>
    %broadcast_in_dim3A_362 = vector.shape_cast %reshape3A_356 : vector<1x256xf32> to vector<1x256xf32>
    %broadcast_in_dim3A_363 = vector.broadcast %broadcast_in_dim3A_362 : vector<1x256xf32> to vector<256x256xf32>
    %select_n3A_364 = arith.select %broadcast_in_dim3A_361, %broadcast_in_dim3A_363, %select_n3A_345 : vector<256x256xi1>, vector<256x256xf32>
    %eq3A_365 = arith.constant 7 : i32
    %eq3A_366 = vector.broadcast %eq3A_365 : i32 to vector<256x1xi32>
    %eq3A_367 = arith.cmpi eq, %broadcast_in_dim3A_216, %eq3A_366 : vector<256x1xi32>
    %broadcast_in_dim3A_368 = vector.shape_cast %eq3A_367 : vector<256x1xi1> to vector<256x1xi1>
    %broadcast_in_dim3A_369 = vector.broadcast %broadcast_in_dim3A_368 : vector<256x1xi1> to vector<256x256xi1>
    %broadcast_in_dim3A_370 = vector.shape_cast %reshape3A_356 : vector<1x256xf32> to vector<1x256xf32>
    %broadcast_in_dim3A_371 = vector.broadcast %broadcast_in_dim3A_370 : vector<1x256xf32> to vector<256x256xf32>
    %select_n3A_372 = arith.select %broadcast_in_dim3A_369, %broadcast_in_dim3A_371, %select_n3A_353 : vector<256x256xi1>, vector<256x256xf32>
    %get3A_373 = arith.constant 0 : index
    %get3A_374 = arith.constant 0 : index
    %get3A_375 = vector.load %arg2[%get3A_373, %get3A_374] : memref<256x256xf32, #tpu.memory_space<vmem>>, vector<256x256xf32>
    %div3A = arith.constant 1.500000e+00 : f32
    %div3A_376 = vector.broadcast %div3A : f32 to vector<256x256xf32>
    %div3A_377 = arith.divf %get3A_375, %div3A_376 : vector<256x256xf32>
    %logistic3A = arith.negf %div3A_377 : vector<256x256xf32>
    %logistic3A_378 = math.exp %logistic3A : vector<256x256xf32>
    %logistic3A_379 = arith.constant 1.000000e+00 : f32
    %logistic3A_380 = vector.broadcast %logistic3A_379 : f32 to vector<256x256xf32>
    %logistic3A_381 = arith.addf %logistic3A_380, %logistic3A_378 : vector<256x256xf32>
    %logistic3A_382 = arith.divf %logistic3A_380, %logistic3A_381 : vector<256x256xf32>
    %sub3A = arith.subf %select_n3A_372, %select_n3A_364 : vector<256x256xf32>
    %mul3A = arith.mulf %logistic3A_382, %sub3A : vector<256x256xf32>
    %add3A = arith.addf %select_n3A_364, %mul3A : vector<256x256xf32>
    %get3A_383 = arith.constant 0 : index
    %get3A_384 = arith.constant 0 : index
    %get3A_385 = vector.load %arg3[%get3A_383, %get3A_384] : memref<256x256xf32, #tpu.memory_space<vmem>>, vector<256x256xf32>
    %mul3A_386 = arith.constant 1.000000e-01 : f32
    %mul3A_387 = vector.broadcast %mul3A_386 : f32 to vector<256x256xf32>
    %mul3A_388 = arith.mulf %get3A_385, %mul3A_387 : vector<256x256xf32>
    %add3A_389 = arith.addf %add3A, %mul3A_388 : vector<256x256xf32>
    %mul3A_390 = arith.mulf %add3A_389, %add3A_389 : vector<256x256xf32>
    %reduce_sum3A_391 = arith.constant dense<0.000000e+00> : vector<256xf32>
    %reduce_sum3A_392 = vector.multi_reduction <add>, %mul3A_390, %reduce_sum3A_391 [1] : vector<256x256xf32> to vector<256xf32>
    %broadcast_in_dim3A_393 = vector.shape_cast %reduce_sum3A_392 : vector<256xf32> to vector<256x1xf32>
    %sqrt3A = math.sqrt %broadcast_in_dim3A_393 : vector<256x1xf32>
    %max3A = arith.constant 9.99999996E-13 : f32
    %max3A_394 = vector.broadcast %max3A : f32 to vector<256x1xf32>
    %max3A_395 = arith.maximumf %sqrt3A, %max3A_394 : vector<256x1xf32>
    %div3A_396 = vector.broadcast %max3A_395 : vector<256x1xf32> to vector<256x256xf32>
    %div3A_397 = arith.divf %add3A_389, %div3A_396 : vector<256x256xf32>
    %swap3A = arith.constant 0 : index
    %swap3A_398 = arith.constant 0 : index
    %swap3A_399 = vector.load %arg6[%swap3A, %swap3A_398] : memref<256x256xf32, #tpu.memory_space<vmem>>, vector<256x256xf32>
    tpu.vector_store %arg6[%swap3A, %swap3A_398], %div3A_397 {strides = array<i32>} : memref<256x256xf32, #tpu.memory_space<vmem>>, vector<256x256xf32>,
    return
  }
  func.func @transform_0(%arg0: i32) -> (i32, i32) {
    %c0_i32 = arith.constant 0 : i32
    %c0_i32_0 = arith.constant 0 : i32
    return %arg0, %c0_i32 : i32, i32
  }
  func.func @transform_1(%arg0: i32) -> (i32, i32) {
    %c0_i32 = arith.constant 0 : i32
    %c0_i32_0 = arith.constant 0 : i32
    return %arg0, %c0_i32 : i32, i32
  }
  func.func @transform_2(%arg0: i32) -> (i32, i32) {
    %c0_i32 = arith.constant 0 : i32
    %c0_i32_0 = arith.constant 0 : i32
    return %arg0, %c0_i32 : i32, i32
  }
  func.func @transform_3(%arg0: i32) -> (i32, i32, i32) {
    %jit3A = arith.constant 12 : i32
    %div3A = arith.divsi %arg0, %jit3A : i32
    %sign3A = arith.constant 0 : i32
    %sign3A_0 = arith.cmpi sgt, %arg0, %sign3A : i32
    %sign3A_1 = arith.extui %sign3A_0 : i1 to i32
    %sign3A_2 = arith.constant 0 : i32
    %sign3A_3 = arith.cmpi slt, %arg0, %sign3A_2 : i32
    %sign3A_4 = arith.extui %sign3A_3 : i1 to i32
    %sign3A_5 = arith.subi %sign3A_1, %sign3A_4 : i32
    %sign3A_6 = arith.constant 0 : i32
    %sign3A_7 = arith.cmpi sgt, %jit3A, %sign3A_6 : i32
    %sign3A_8 = arith.extui %sign3A_7 : i1 to i32
    %sign3A_9 = arith.constant 0 : i32
    %sign3A_10 = arith.cmpi slt, %jit3A, %sign3A_9 : i32
    %sign3A_11 = arith.extui %sign3A_10 : i1 to i32
    %sign3A_12 = arith.subi %sign3A_8, %sign3A_11 : i32
    %ne3A = arith.cmpi ne, %sign3A_5, %sign3A_12 : i32
    %rem3A = arith.remsi %arg0, %jit3A : i32
    %ne3A_13 = arith.constant 0 : i32
    %ne3A_14 = arith.cmpi ne, %rem3A, %ne3A_13 : i32
    %and3A = arith.andi %ne3A, %ne3A_14 : i1
    %sub3A = arith.constant 1 : i32
    %sub3A_15 = arith.subi %div3A, %sub3A : i32
    %select_n3A = arith.select %and3A, %sub3A_15, %div3A : i32
    %c0_i32 = arith.constant 0 : i32
    %c0_i32_16 = arith.constant 0 : i32
    %c0_i32_17 = arith.constant 0 : i32
    return %select_n3A, %c0_i32, %c0_i32_16 : i32, i32, i32
  }
  func.func @transform_4(%arg0: i32) -> (i32, i32) {
    %jit3A = arith.constant 12 : i32
    %div3A = arith.divsi %arg0, %jit3A : i32
    %sign3A = arith.constant 0 : i32
    %sign3A_0 = arith.cmpi sgt, %arg0, %sign3A : i32
    %sign3A_1 = arith.extui %sign3A_0 : i1 to i32
    %sign3A_2 = arith.constant 0 : i32
    %sign3A_3 = arith.cmpi slt, %arg0, %sign3A_2 : i32
    %sign3A_4 = arith.extui %sign3A_3 : i1 to i32
    %sign3A_5 = arith.subi %sign3A_1, %sign3A_4 : i32
    %sign3A_6 = arith.constant 0 : i32
    %sign3A_7 = arith.cmpi sgt, %jit3A, %sign3A_6 : i32
    %sign3A_8 = arith.extui %sign3A_7 : i1 to i32
    %sign3A_9 = arith.constant 0 : i32
    %sign3A_10 = arith.cmpi slt, %jit3A, %sign3A_9 : i32
    %sign3A_11 = arith.extui %sign3A_10 : i1 to i32
    %sign3A_12 = arith.subi %sign3A_8, %sign3A_11 : i32
    %ne3A = arith.cmpi ne, %sign3A_5, %sign3A_12 : i32
    %rem3A = arith.remsi %arg0, %jit3A : i32
    %ne3A_13 = arith.constant 0 : i32
    %ne3A_14 = arith.cmpi ne, %rem3A, %ne3A_13 : i32
    %and3A = arith.andi %ne3A, %ne3A_14 : i1
    %sub3A = arith.constant 1 : i32
    %sub3A_15 = arith.subi %div3A, %sub3A : i32
    %select_n3A = arith.select %and3A, %sub3A_15, %div3A : i32
    %mul3A = arith.constant 128 : i32
    %mul3A_16 = arith.muli %select_n3A, %mul3A : i32
    %c0_i32 = arith.constant 0 : i32
    %c0_i32_17 = arith.constant 0 : i32
    return %mul3A_16, %c0_i32 : i32, i32
  }
  func.func @transform_5(%arg0: i32) -> (i32, i32) {
    %c0_i32 = arith.constant 0 : i32
    %c0_i32_0 = arith.constant 0 : i32
    return %arg0, %c0_i32 : i32, i32
  }
}

</mosaic_0001>

<sc_bundles>
// kernel: kernel.8.cloned.1.call-start
scs
__scs_entry_jumppad:
0x0: {  	(pc) =	sbr.rel $0x88, $3  }
0x1: {  	(tag) =	ssettag $0x0;
	lr =	simm.s32 $0x1  }
0x2: {  	[smem:$0x3F9F] =	sst lr;
	_ =	strace $0xD0000000  }
0x3: {  	_ = 	snop  }
0x4: {  	_ = 	snop  }
0x5: {  	_ = 	snop  }
0x6: {  	_ = 	snop  }
0x7: {  	_ = 	snop  }
__scs_overlays_trampoline_lowered:
0x8: {  	[smem:$0x3FAE] =	sst s0  }
0x9: {  	[smem:$0x3FAF] =	sst s1  }
0xa: {  	[smem:$0x3FB0] =	sst s2  }
0xb: {  	[smem:$0x3FB1] =	sst s3  }
0xc: {  	[smem:$0x3FB2] =	sst s4  }
0xd: {  	[smem:$0x3FB3] =	sst s5  }
0xe: {  	[smem:$0x3FB4] =	sst s6  }
0xf: {  	[smem:$0x3FB5] =	sst s7  }
0x10: {  	[smem:$0x3FB6] =	sst s8  }
0x11: {  	[smem:$0x3FB7] =	sst s9;
	s0 =	simm.s32 @!p0 $0x0  }
0x12: {  	s1 =	sld [smem:$0x3F9D];
	s0 =	simm.s32 @p0 $0x1  }
0x13: {  	[smem:$0x3FB8] =	sst s0;
	s0 =	simm.s32 @!p1 $0x0  }
0x14: {  	s2 =	sld [smem:$0x3F9C];
	s0 =	simm.s32 @p1 $0x1  }
0x15: {  	[smem:$0x3FB9] =	sst s0;
	s0 =	simm.s32 @!p2 $0x0  }
0x16: {  	s3 =	sld [smem:$0x3FDB];
	s0 =	simm.s32 @p2 $0x1  }
0x17: {  	s4 =	simm.s32 $0x1BF5;
	[smem:$0x3FBB] =	sst s0  }
0x18: {  	s0 =	sld [smem:$0x3F9E];
	_ =	swait.ge [sflag:s4], $0x0  }
0x19: {  	s7 =	sld [smem:$0x3F9F]  }
0x1a: {  	s8 =	sadd.s32 $0xFFFFE003, lr  }
0x1b: {  	s9 =	sadd.s32 $0xFFFFFEF7, lr;
	s5 =	simm.s32 $0xFFFFFFFF;
	p2 =	slt.u32 s8, $0xFFFFF086  }
0x1c: {  	p1 =	slt.u32 s9, $0xF7A;
	s5 =	simm.s32 @!p2 $0x0  }
0x1d: {  	s5 =	simm.s32 @p1 $0x1;
	p0 =	seq.s32 s7, s2  }
0x1e: {  	s7 =	smul.u32 @!p0 $0xF7A, s2;
	p2 =	seq.s32 @!p0 s5, $0x0  }
0x1f: {  	s9 =	smul.u32 $0xF7A, s1;
	s8 =	simm.s32 @!p0 $0x1BF5;
	p2 =	por !p2, p0  }
0x20: {  	[sflag:s8] =	ssyncset.s32 @!p0 $0xFFFFF086;
	s6 =	sadd.s32 @!p0 s3, s7;
	s7 =	simm.s32 @!p0 $0x108  }
0x21: {  	s3 =	sadd.s32 s3, s9;
	s6 =	sadd.s32 @!p0 $0x88, s6;
	s7 =	simm.s32 @p2 $0x1082  }
0x22: {  	[simem:s7], [sflag:s8] =	dma.local @!p0 [hbm:s6], $0xF7A  }
0x23: {  	s9 =	sor.u32 $0xD0000000, s2;
	s6 =	simm.s32 $0x108;
	_ =	swait.ge @!p0 [sflag:s8], $0x0  }
0x24: {  	s3 =	sadd.s32 $0x88, s3;
	s6 =	simm.s32 @!p1 $0x1082;
	[sflag:s4] =	ssyncset.s32 $0xFFFFF086  }
0x25: {  	[simem:s6], [sflag:s4] =	dma.local [hbm:s3], $0xF7A  }
0x26: {  	[smem:$0x3F9F] =	sst s1;
	(tag) =	ssettag s2;
	_ =	strace s9  }
0x27: {  	s1 =	sld [smem:$0x3FAF]  }
0x28: {  	s2 =	sld [smem:$0x3FB0]  }
0x29: {  	s4 =	sld [smem:$0x3FB2]  }
0x2a: {  	p0 =	seq.s32 s5, $0x0;
	s5 =	sld [smem:$0x3FB3]  }
0x2b: {  	s6 =	sld [smem:$0x3FB4]  }
0x2c: {  	s7 =	sld [smem:$0x3FB5]  }
0x2d: {  	s3 =	simm.s32 $0x108;
	s8 =	sld [smem:$0x3FB6]  }
0x2e: {  	s3 =	simm.s32 @!p0 $0x1082;
	s9 =	sld [smem:$0x3FB7]  }
0x2f: {  	lr =	sadd.s32 s0, s3;
	s0 =	sld [smem:$0x3FAE]  }
0x30: {  	s3 =	sld [smem:$0x3FB1]  }
0x31: {  	[smem:$0x3FBA] =	sst s10  }
0x32: {  	s10 =	sld [smem:$0x3FB8];
	_ =	sdelay $0x3  }
0x33: {  	p0 =	seq.s32 s10, $0x1;
	s10 =	sld [smem:$0x3FBA];
	_ =	sdelay $0x3  }
0x34: {  	[smem:$0x3FBA] =	sst s10  }
0x35: {  	s10 =	sld [smem:$0x3FB9];
	_ =	sdelay $0x3  }
0x36: {  	p1 =	seq.s32 s10, $0x1;
	s10 =	sld [smem:$0x3FBA];
	_ =	sdelay $0x3  }
0x37: {  	[smem:$0x3FBA] =	sst s10  }
0x38: {  	s10 =	sld [smem:$0x3FBB]  }
0x39: {  	_ = 	snop;
	(pc) =	sbr.ind lr, $3  }
0x3a: {  	_ = 	snop  }
0x3b: {  	_ = 	snop  }
0x3c: {  	p2 =	seq.s32 s10, $0x1;
	s10 =	sld [smem:$0x3FBA]  }
0x3d: {  	_ =	shalt  }
0x3e: {  	_ =	shalt  }
0x3f: {  	_ =	shalt  }
0x40: {  	_ =	shalt  }
0x41: {  	_ =	shalt  }
0x42: {  	_ =	shalt  }
0x43: {  	_ =	shalt  }
0x44: {  	_ =	shalt  }
0x45: {  	_ =	shalt  }
0x46: {  	_ =	shalt  }
0x47: {  	_ =	shalt  }
0x48: {  	_ =	shalt  }
0x49: {  	_ =	shalt  }
0x4a: {  	_ =	shalt  }
0x4b: {  	_ =	shalt  }
0x4c: {  	_ =	shalt  }
0x4d: {  	_ =	shalt  }
0x4e: {  	_ =	shalt  }
0x4f: {  	_ =	shalt  }
0x50: {  	_ =	shalt  }
0x51: {  	_ =	shalt  }
0x52: {  	_ =	shalt  }
0x53: {  	_ =	shalt  }
0x54: {  	_ =	shalt  }
0x55: {  	_ =	shalt  }
0x56: {  	_ =	shalt  }
0x57: {  	_ =	shalt  }
0x58: {  	_ =	shalt  }
0x59: {  	_ =	shalt  }
0x5a: {  	_ =	shalt  }
0x5b: {  	_ =	shalt  }
0x5c: {  	_ =	shalt  }
0x5d: {  	_ =	shalt  }
0x5e: {  	_ =	shalt  }
0x5f: {  	_ =	shalt  }
0x60: {  	_ =	shalt  }
0x61: {  	_ =	shalt  }
0x62: {  	_ =	shalt  }
0x63: {  	_ =	shalt  }
0x64: {  	_ =	shalt  }
0x65: {  	_ =	shalt  }
0x66: {  	_ =	shalt  }
0x67: {  	_ =	shalt  }
0x68: {  	_ =	shalt  }
0x69: {  	_ =	shalt  }
0x6a: {  	_ =	shalt  }
0x6b: {  	_ =	shalt  }
0x6c: {  	_ =	shalt  }
0x6d: {  	_ =	shalt  }
0x6e: {  	_ =	shalt  }
0x6f: {  	_ =	shalt  }
0x70: {  	_ =	shalt  }
0x71: {  	_ =	shalt  }
0x72: {  	_ =	shalt  }
0x73: {  	_ =	shalt  }
0x74: {  	_ =	shalt  }
0x75: {  	_ =	shalt  }
0x76: {  	_ =	shalt  }
0x77: {  	_ =	shalt  }
0x78: {  	_ =	shalt  }
0x79: {  	_ =	shalt  }
0x7a: {  	_ =	shalt  }
0x7b: {  	_ =	shalt  }
0x7c: {  	_ =	shalt  }
0x7d: {  	_ =	shalt  }
0x7e: {  	_ =	shalt  }
0x7f: {  	_ =	shalt  }
0x80: {  	_ =	shalt  }
0x81: {  	_ =	shalt  }
0x82: {  	_ =	shalt  }
0x83: {  	_ =	shalt  }
0x84: {  	_ =	shalt  }
0x85: {  	_ =	shalt  }
0x86: {  	_ =	shalt  }
0x87: {  	_ =	shalt  }
.Lfunc_end0:
.L_simem_size_0:
called_computation_lowered:
.L_overlay_start_0:
0x88: {  	s2 =	sld [smem:$0x3FD9]  }
0x89: {  	s3 =	sld [smem:$0x3FFE];
	_ =	sdelay $0x1  }
0x8a: {  	s1 =	srdreg.scid  }
0x8b: {  	s0 =	sand.u32 $0x1, s1  }
0x8c: {  	s17 =	sshll.u32 s0, $0xA;
	s2 =	sadd.s32 s3, s2  }
0x8d: {  	s2 =	sadd.s32 s2, s17  }
0x8e: {  	[smem:$0x3FC6] =	sst s2  }
0x8f: {  	_ = 	snop  }
0x90: {  	s2 =	sld [smem:$0x3FC8];
	(tm) =	ssettm $0x1  }
0x91: {  	s18 =	sld [smem:$0x3FFB];
	_ =	sdelay $0x3  }
0x92: {  	_ =	strace s18  }
0x93: {  	s3 =	sld [smem:$0x3FFC];
	_ =	sdelay $0x3  }
0x94: {  	_ =	strace s3  }
0x95: {  	s3 =	sld [smem:$0x3FFD];
	_ =	sdelay $0x3  }
0x96: {  	_ =	strace s3  }
0x97: {  	_ =	strace $0x8FFFFFFF  }
0x98: {  	s19 =	sld [smem:$0x3FDB];
	_ =	sdelay $0x1  }
0x99: {  	s4 =	simm.s32 $_scs_section_size  }
0x9a: {  	s5 =	simm.s32 $_size__tile_overlayer_lowered;
	s6 =	simm.s32 $_tile_overlayer_lowered  }
0x9b: {  	s22 =	simm.s32 $0x1BFF;
	s21 =	sshll.u32 s6, $0x1;
	s3 =	sadd.s32 s4, s19  }
0x9c: {  	s7 =	simm.s32 $0x0;
	s20 =	sshll.u32 s5, $0x1;
	s5 =	sadd.s32 s21, s3  }
0x9d: {  	[timem:s7], [sflag:s22] =	dma.local [hbm:s5], s20  }
0x9e: {  	_ =	swait.ge [sflag:s22], s20  }
0x9f: {  	s4 =	ssub.s32 $0x0, s20;
	[sflag:s22] =	ssyncset.done $0x0  }
0xa0: {  	[sflag:s22] =	ssyncadd.s32 s4;
	_ =	sdelay $0x1  }
0xa1: {  	s23 =	simm.s32 $0x1B8B  }
0xa2: {  	_ =	swait.ge [sflag:s23], $0x1  }
0xa3: {  	[sflag:s23] =	ssyncset.done $0x0  }
0xa4: {  	s25 =	simm.s32 $0x1B8E;
	s24 =	sld [smem:$0x3FFE];
	[sflag:s23] =	ssyncadd.s32 $0xFFFFFFFF  }
0xa5: {  	s26 =	simm.s32 $execute0_lowered;
	[smem:$0x3FD2] =	sst s25  }
0xa6: {  	s5 =	sshll.u32 s26, $0x1;
	_ =	strace $0x80000046;
	[dreg:$0x1] =	wrdreg $0xFFFFFFFF  }
0xa7: {  	s28 =	simm.s32 $_size_execute0_lowered;
	s3 =	sadd.s32 s3, s5;
	[dreg:$0x0] =	wrdreg $0x0  }
0xa8: {  	s5 =	sshll.u32 s28, $0x1;
	[dreg:$0x2] =	wrdreg s3  }
0xa9: {  	[dreg:$0x3] =	wrdreg s5  }
0xaa: {  	[dreg:$0x4] =	wrdreg $0xC0  }
0xab: {  	_ =	task [dreg:s7], $0x5FFFF  }
0xac: {  	[dreg:$0x1] =	wrdreg $0xFFFFFFFF  }
0xad: {  	[dreg:$0x0] =	wrdreg $0x60  }
0xae: {  	[dreg:$0x2] =	wrdreg s2  }
0xaf: {  	[dreg:$0x3] =	wrdreg s24  }
0xb0: {  	[dreg:$0x4] =	wrdreg $0x9  }
0xb1: {  	_ =	task.clear_ibuf [dreg:s7], $0x5FFFF;
	_ =	strace $0x90000046  }
0xb2: {  	s29 =	simm.s32 $0x9;
	_ =	strace $0x80000048  }
0xb3: {  	_ =	swait.ge [sflag:s29], $0x1  }
0xb4: {  	[sflag:s29] =	ssyncadd.s32 $0xFFFFFFFF  }
0xb5: {  	_ =	strace $0x90000048  }
0xb6: {  	_ =	sfence  }
0xb7: {  	s30 =	sld [smem:$0x0];
	_ =	sdelay $0x2  }
0xb8: {  	s31 =	sshll.u32 s1, $0xD;
	s1 =	sshrl.u32 s1, $0x2  }
0xb9: {  	s3 =	sand.u32 $0x4000, s31;
	s1 =	sadd.s32 s1, s30  }
0xba: {  	s0 =	sor.u32 s3, s0;
	s1 =	sshll.u32 s1, $0x11  }
0xbb: {  	s0 =	sor.u32 s1, s0  }
0xbc: {  	s0 =	sadd.s32 $0x8F2B, s0  }
0xbd: {  	[sflag:s0] =	ssyncadd.remote.s32 $0x1  }
0xbe: {  	_ =	sfence.sel $0xFFFF  }
0xbf: {  	[dreg:$0x0] =	wrdreg $0xFFFFFFFF;
	(pc) =	sbr.abs _section_cstart, $3  }
0xc0: {  	[dreg:$0x1] =	wrdreg $0xFFFFFFFF  }
0xc1: {  	_ =	task.clear_ibuf [dreg:s7], $0x2FFFF;
	_ =	strace $0x9FFFFFFF  }
0xc2: {  	(tm) =	ssettm $0x7FFFFFFF  }
0xc3: {  	_ =	shalt  }
tec
execute0_lowered:
.L_overlay_start_1:
0x0: {  	(tag) =	ssettag $0x1  }
0x1: {  	s1 =	rddreg [dreg:$0x0]  }
0x2: {  	s4 =	rddreg [dreg:$0x1]  }
0x3: {  	s0 =	rddreg [dreg:$0x2];
	s5 =	srdreg.scid  }
0x4: {  	s3 =	simm.s32 $0x0;
	s2 =	stileid.u32;
	s9 =	simm.s32 $0x880  }
0x5: {  	s10 =	simm.s32 $0x1080;
	s11 =	simm.s32 $0x1880;
	s12 =	simm.s32 $0x2080  }
0x6: {  	s13 =	simm.s32 $0x2880;
	s14 =	simm.s32 $0x3080;
	s15 =	simm.s32 $0x3880  }
0x7: {  	s16 =	simm.s32 $0x4080;
	s17 =	simm.s32 $0x4880;
	s18 =	simm.s32 $0x5080  }
0x8: {  	s19 =	simm.s32 $0x5880;
	s20 =	simm.s32 $0x6080;
	s21 =	simm.s32 $0x6880  }
0x9: {  	s22 =	simm.s32 $0x7080;
	s23 =	simm.s32 $0x7880;
	s5 =	sand.u32 $0x1, s5  }
0xa: {  	[smem:$0x7FF] =	sst s3;
	s6 =	sshll.u32 s2, $0x8;
	s7 =	sshll.u32 s5, $0x7  }
0xb: {  	s24 =	simm.s32 $0x1;
	_ =	strace $0x80000047;
	s6 =	sor.u32 s7, s6  }
0xc: {  	s5 =	ssub.s32 $0x2, s5;
	s7 =	sshrl.u32 s6, $0x3;
	s6 =	sshll.u32 s6, $0x5  }
0xd: {  	v2 =	vlaneseq.u32;
	s8 =	sshrl.u32 s5, $0x1;
	s7 =	sadd.s32 s7, s4;
	s6 =	sadd.s32 s6, s4  }
0xe: {  	vm0 =	vmmov $0xffff;
	v1 =	vshrl.u32 v2, $0x3;
	s8 =	ssub.s32 s5, s8;
	s4 =	sadd.s32 $0x1800, s7;
	s5 =	sadd.s32 $0x1A00, s6  }
0xf: {  	v0 =	vand.u32 $0x7, v2;
	v2 =	vor.u32 $0x8, v2;
	v1 =	vmul.u32 $0x8, v1;
	s6 =	smax.u32 s8, $0x1;
	s7 =	simm.s32 $0x2;
	s8 =	simm.s32 $0x80  }
.LBB2_1:
0x10: {  	[tilespmem:s3], [sflag:$0x2] =	stream.linear.gather [hbm4b:s4+s3], $0x80, $0x38;
	[tilespmem:$0x8080] =	vst v63  }
0x11: {  	_ =	swait.ge [sflag:s7], $0x80  }
0x12: {  	[sflag:s7] =	ssyncset.done $0x0  }
0x13: {  	[sflag:s7] =	ssyncadd.s32 $0xFFFFFF80  }
0x14: {  	v3 =	vld [tilespmem:$0x0];
	_ =	sdelay $0x4  }
0x15: {  	v4 =	vshll.u32 v3, $0x1  }
0x16: {  	v3 =	vand.u32 $0x7, v3;
	v4 =	vand.u32 $0xFFFFFFF0, v4  }
0x17: {  	v3 =	vor.u32 v3, v4  }
0x18: {  	v4 =	vperm.xlane v3, v0;
	_ =	sdelay $0x1  }
0x19: {  	v3 =	vperm.xlane v3, v2;
	v4 =	vadd.s32 v1, v4;
	_ =	sdelay $0x1  }
0x1a: {  	v3 =	vadd.s32 v1, v3;
	_ =	sdelay $0x2  }
0x1b: {  	[tilespmem:s8], [sflag:$0x1] =	stream.indirect_vreg.gather [hbm4b:s1+s3], $0x80, v4, vm0, $0xb8;
	[tilespmem:$0x8080] =	vst v63  }
0x1c: {  	_ = 	snop  }
0x1d: {  	[tilespmem:s9], [sflag:$0x1] =	stream.indirect_vreg.gather [hbm4b:s1+s3], $0x80, v3, vm0, $0xb8;
	[tilespmem:$0x8080] =	vst v63  }
0x1e: {  	v3 =	vld [tilespmem:$0x10];
	_ =	sdelay $0x4  }
0x1f: {  	v57 =	vshll.u32 v3, $0x1  }
0x20: {  	v3 =	vand.u32 $0x7, v3;
	v4 =	vand.u32 $0xFFFFFFF0, v57  }
0x21: {  	v3 =	vor.u32 v3, v4  }
0x22: {  	v4 =	vperm.xlane v3, v0;
	_ =	sdelay $0x1  }
0x23: {  	v3 =	vperm.xlane v3, v2;
	v4 =	vadd.s32 v1, v4;
	_ =	sdelay $0x1  }
0x24: {  	v3 =	vadd.s32 v1, v3;
	_ =	sdelay $0x2  }
0x25: {  	[tilespmem:s10], [sflag:$0x1] =	stream.indirect_vreg.gather [hbm4b:s1+s3], $0x80, v4, vm0, $0xb8;
	[tilespmem:$0x8080] =	vst v63  }
0x26: {  	_ = 	snop  }
0x27: {  	[tilespmem:s11], [sflag:$0x1] =	stream.indirect_vreg.gather [hbm4b:s1+s3], $0x80, v3, vm0, $0xb8;
	[tilespmem:$0x8080] =	vst v63  }
0x28: {  	v3 =	vld [tilespmem:$0x20];
	_ =	sdelay $0x4  }
0x29: {  	v58 =	vshll.u32 v3, $0x1  }
0x2a: {  	v3 =	vand.u32 $0x7, v3;
	v4 =	vand.u32 $0xFFFFFFF0, v58  }
0x2b: {  	v3 =	vor.u32 v3, v4  }
0x2c: {  	v4 =	vperm.xlane v3, v0;
	_ =	sdelay $0x1  }
0x2d: {  	v3 =	vperm.xlane v3, v2;
	v4 =	vadd.s32 v1, v4;
	_ =	sdelay $0x1  }
0x2e: {  	v3 =	vadd.s32 v1, v3;
	_ =	sdelay $0x2  }
0x2f: {  	[tilespmem:s12], [sflag:$0x1] =	stream.indirect_vreg.gather [hbm4b:s1+s3], $0x80, v4, vm0, $0xb8;
	[tilespmem:$0x8080] =	vst v63  }
0x30: {  	_ = 	snop  }
0x31: {  	[tilespmem:s13], [sflag:$0x1] =	stream.indirect_vreg.gather [hbm4b:s1+s3], $0x80, v3, vm0, $0xb8;
	[tilespmem:$0x8080] =	vst v63  }
0x32: {  	v3 =	vld [tilespmem:$0x30];
	_ =	sdelay $0x4  }
0x33: {  	v59 =	vshll.u32 v3, $0x1  }
0x34: {  	v3 =	vand.u32 $0x7, v3;
	v4 =	vand.u32 $0xFFFFFFF0, v59  }
0x35: {  	v3 =	vor.u32 v3, v4  }
0x36: {  	v4 =	vperm.xlane v3, v0;
	_ =	sdelay $0x1  }
0x37: {  	v3 =	vperm.xlane v3, v2;
	v4 =	vadd.s32 v1, v4;
	_ =	sdelay $0x1  }
0x38: {  	v3 =	vadd.s32 v1, v3;
	_ =	sdelay $0x2  }
0x39: {  	[tilespmem:s14], [sflag:$0x1] =	stream.indirect_vreg.gather [hbm4b:s1+s3], $0x80, v4, vm0, $0xb8;
	[tilespmem:$0x8080] =	vst v63  }
0x3a: {  	_ = 	snop  }
0x3b: {  	[tilespmem:s15], [sflag:$0x1] =	stream.indirect_vreg.gather [hbm4b:s1+s3], $0x80, v3, vm0, $0xb8;
	[tilespmem:$0x8080] =	vst v63  }
0x3c: {  	v3 =	vld [tilespmem:$0x40];
	_ =	sdelay $0x4  }
0x3d: {  	v60 =	vshll.u32 v3, $0x1  }
0x3e: {  	v3 =	vand.u32 $0x7, v3;
	v4 =	vand.u32 $0xFFFFFFF0, v60  }
0x3f: {  	v3 =	vor.u32 v3, v4  }
0x40: {  	v4 =	vperm.xlane v3, v0;
	_ =	sdelay $0x1  }
0x41: {  	v3 =	vperm.xlane v3, v2;
	v4 =	vadd.s32 v1, v4;
	_ =	sdelay $0x1  }
0x42: {  	v3 =	vadd.s32 v1, v3;
	_ =	sdelay $0x2  }
0x43: {  	[tilespmem:s16], [sflag:$0x1] =	stream.indirect_vreg.gather [hbm4b:s1+s3], $0x80, v4, vm0, $0xb8;
	[tilespmem:$0x8080] =	vst v63  }
0x44: {  	_ = 	snop  }
0x45: {  	[tilespmem:s17], [sflag:$0x1] =	stream.indirect_vreg.gather [hbm4b:s1+s3], $0x80, v3, vm0, $0xb8;
	[tilespmem:$0x8080] =	vst v63  }
0x46: {  	v3 =	vld [tilespmem:$0x50];
	_ =	sdelay $0x4  }
0x47: {  	v61 =	vshll.u32 v3, $0x1  }
0x48: {  	v3 =	vand.u32 $0x7, v3;
	v4 =	vand.u32 $0xFFFFFFF0, v61  }
0x49: {  	v3 =	vor.u32 v3, v4  }
0x4a: {  	v4 =	vperm.xlane v3, v0;
	_ =	sdelay $0x1  }
0x4b: {  	v3 =	vperm.xlane v3, v2;
	v4 =	vadd.s32 v1, v4;
	_ =	sdelay $0x1  }
0x4c: {  	v3 =	vadd.s32 v1, v3;
	_ =	sdelay $0x2  }
0x4d: {  	[tilespmem:s18], [sflag:$0x1] =	stream.indirect_vreg.gather [hbm4b:s1+s3], $0x80, v4, vm0, $0xb8;
	[tilespmem:$0x8080] =	vst v63  }
0x4e: {  	_ = 	snop  }
0x4f: {  	[tilespmem:s19], [sflag:$0x1] =	stream.indirect_vreg.gather [hbm4b:s1+s3], $0x80, v3, vm0, $0xb8;
	[tilespmem:$0x8080] =	vst v63  }
0x50: {  	v3 =	vld [tilespmem:$0x60];
	_ =	sdelay $0x4  }
0x51: {  	v62 =	vshll.u32 v3, $0x1  }
0x52: {  	v3 =	vand.u32 $0x7, v3;
	v4 =	vand.u32 $0xFFFFFFF0, v62  }
0x53: {  	v3 =	vor.u32 v3, v4  }
0x54: {  	v4 =	vperm.xlane v3, v0;
	_ =	sdelay $0x1  }
0x55: {  	v3 =	vperm.xlane v3, v2;
	v4 =	vadd.s32 v1, v4;
	_ =	sdelay $0x1  }
0x56: {  	v3 =	vadd.s32 v1, v3;
	_ =	sdelay $0x2  }
0x57: {  	[tilespmem:s20], [sflag:$0x1] =	stream.indirect_vreg.gather [hbm4b:s1+s3], $0x80, v4, vm0, $0xb8;
	[tilespmem:$0x8080] =	vst v63  }
0x58: {  	_ = 	snop  }
0x59: {  	[tilespmem:s21], [sflag:$0x1] =	stream.indirect_vreg.gather [hbm4b:s1+s3], $0x80, v3, vm0, $0xb8;
	[tilespmem:$0x8080] =	vst v63  }
0x5a: {  	v3 =	vld [tilespmem:$0x70];
	_ =	sdelay $0x4  }
0x5b: {  	v63 =	vshll.u32 v3, $0x1  }
0x5c: {  	v3 =	vand.u32 $0x7, v3;
	v4 =	vand.u32 $0xFFFFFFF0, v63  }
0x5d: {  	v3 =	vor.u32 v3, v4  }
0x5e: {  	v4 =	vperm.xlane v3, v0;
	_ =	sdelay $0x1  }
0x5f: {  	v3 =	vperm.xlane v3, v2;
	v4 =	vadd.s32 v1, v4;
	_ =	sdelay $0x1  }
0x60: {  	v3 =	vadd.s32 v1, v3;
	_ =	sdelay $0x2  }
0x61: {  	[tilespmem:s22], [sflag:$0x1] =	stream.indirect_vreg.gather [hbm4b:s1+s3], $0x80, v4, vm0, $0xb8;
	[tilespmem:$0x8080] =	vst v63  }
0x62: {  	_ = 	snop  }
0x63: {  	[tilespmem:s23], [sflag:$0x1] =	stream.indirect_vreg.gather [hbm4b:s1+s3], $0x80, v3, vm0, $0xb8;
	[tilespmem:$0x8080] =	vst v63  }
0x64: {  	_ =	swait.ge [sflag:s24], $0x8000  }
0x65: {  	p0 =	sne.s32 s6, $0x1;
	[sflag:s24] =	ssyncset.done $0x0  }
.Ltmp0:
0x66: {  	[sflag:s24] =	ssyncadd.s32 $0xFFFF8000;
	(pc) =	sbr.rel @p0 .LBB2_1-.Ltmp0, $4  }
0x67: {  	[hbm4b:s5+s3] =	stream.linear.scatter [tilespmem:s8], [sflag:$0x2], $0x8000, $0x38;
	[tilespmem:$0x8080] =	vst v63  }
0x68: {  	_ =	swait.ge [sflag:s7], $0x8000  }
0x69: {  	[sflag:s7] =	ssyncset.done $0x0  }
0x6a: {  	s6 =	sadd.s32 $0xFFFFFFFF, s6;
	[sflag:s7] =	ssyncadd.s32 $0xFFFF8000  }
0x6b: {  	_ =	sfence.sel $0x180000  }
0x6c: {  	[bflag:$0x0] =	sbarrier.arrive $0xFFFF  }
0x6d: {  	p0 =	sne.s32 s2, $0x0;
	_ =	strace $0x90000047  }
0x6e: {  	s0 =	sadd.s32 @!p0 $0x100000, s0;
	[bflag:$0x2] =	sbarrier.arrive $0xFFFF  }
0x6f: {  	[sflag:s0] =	ssyncadd.tile.s32 @!p0 $0x1;
	_ =	shalt  }
.Lfunc_end2:
_tile_overlayer_lowered:
.L_overlay_start_2:
0x70: {  	(tag) =	ssettag $0x2  }
0x71: {  	s0 =	rddreg [dreg:$0x0];
	s2 =	stileid.u32  }
0x72: {  	s1 =	rddreg [dreg:$0x1];
	p0 =	sne.s32 s2, $0x0  }
0x73: {  	s3 =	rddreg [dreg:$0x2];
	[bflag:$0x3] =	sbarrier.arrive $0xFFFF;
	s2 =	simm.s32 @!p0 $0x1C02  }
0x74: {  	[timem:s3], [sflag:s2] =	dma.local @!p0 [hbm:s0], s1  }
0x75: {  	s0 =	simm.s32 @!p0 $0x2  }
0x76: {  	_ =	swait.ge @!p0 [sflag:s0], s1  }
0x77: {  	s1 =	ssub.s32 @!p0 $0x0, s1;
	[sflag:s0] =	ssyncset.done @!p0 $0x0  }
0x78: {  	[sflag:s0] =	ssyncadd.s32 @!p0 s1  }
0x79: {  	[bflag:$0x3] =	sbarrier.arrive $0xFFFF  }
0x7a: {  	_ =	shalt  }

</sc_bundles>
